<compile_context>
chip_gen: v7x
topology: tpu7x:2x2x1
jax: 0.10.2.dev20260603
libtpu: 0.0.44.dev20260713+nightly
codegen_flags: <defaults>
</compile_context>

<pallas_src>
import functools

import jax
import jax.numpy as jnp
from jax import lax
from jax.experimental import pallas as pl
from jax.experimental.pallas import tpu as pltpu
from jax.experimental.pallas import tpu_sc as plsc

N = 10000
E = 320000
D = 128
T = 5

NC = 2
NS = 16
LANES = 16
CH = 64
NCH = E // CH
RPT = 624
RPT_LAST = N - (NS - 1) * RPT

BLK_A = 2000
BLK_B = 2000


def _msg_table_body(x_ref, w_ref, b_ref, h_ref):
    x = x_ref[...]
    for t in range(T):
        h = lax.dot_general(x, w_ref[t], (((1,), (1,)), ((), ())),
                            preferred_element_type=jnp.float32)
        h_ref[t, ...] = h + b_ref[t, 0][None, :]


def _make_msg_table(x, W_msg, b_msg):
    return pl.pallas_call(
        _msg_table_body,
        grid=(N // BLK_A,),
        in_specs=[
            pl.BlockSpec((BLK_A, D), lambda j: (j, 0)),
            pl.BlockSpec((T, D, D), lambda j: (0, 0, 0)),
            pl.BlockSpec((T, 1, D), lambda j: (0, 0, 0)),
        ],
        out_specs=pl.BlockSpec((T, BLK_A, D), lambda j: (0, j, 0)),
        out_shape=jax.ShapeDtypeStruct((T, N, D), jnp.float32),
    )(x, W_msg, b_msg.reshape(T, 1, D))


NB = 4
NG = NCH // NB


def _sc_aggregate(h_flat, edges, typ, zrows):
    mesh = plsc.VectorSubcoreMesh(core_axis_name="c", subcore_axis_name="s")

    @functools.partial(
        pl.kernel,
        out_type=jax.ShapeDtypeStruct((NC, N, D), jnp.float32),
        mesh=mesh,
        scratch_types=[
            pltpu.VMEM((NB * CH,), jnp.int32),
            pltpu.VMEM((2 * NB, CH), jnp.int32),
            pltpu.VMEM((NB * CH,), jnp.int32),
            pltpu.VMEM((NB * CH,), jnp.int32),
            pltpu.VMEM((NB, CH), jnp.int32),
            pltpu.VMEM((NB, CH, D), jnp.float32),
            pltpu.VMEM_SHARED((N, D), jnp.float32),
            [pltpu.SemaphoreType.DMA] * NB,
            [pltpu.SemaphoreType.DMA] * NB,
            pltpu.SemaphoreType.DMA,
            pltpu.SemaphoreType.DMA,
            pltpu.SemaphoreType.DMA,
            pltpu.SemaphoreType.DMA,
        ],
    )
    def k(h_hbm, e_hbm, typ_hbm, z_hbm, out_hbm,
          src_v, dst_v, typ_v, dst1_v, g_v, rows_v, acc,
          gsems, ssems, isem_s, isem_d, isem_t, zsem):
        c = lax.axis_index("c")
        s = lax.axis_index("s")
        wid = c * NS + s
        row0 = s * RPT
        STEP = NC * NS

        @pl.when(s < NS - 1)
        def _():
            pltpu.async_copy(z_hbm.at[pl.ds(0, RPT)],
                             acc.at[pl.ds(row0, RPT)], zsem)

        @pl.when(s == NS - 1)
        def _():
            pltpu.async_copy(z_hbm, acc.at[pl.ds(row0, RPT_LAST)], zsem)

        GE = NB * CH

        pltpu.sync_copy(e_hbm.at[0, pl.ds(wid * GE, GE)], src_v)
        pltpu.sync_copy(typ_hbm.at[pl.ds(wid * GE, GE)], typ_v)
        pltpu.sync_copy(e_hbm.at[1, pl.ds(wid * GE, GE)], dst1_v)

        @pl.loop(wid, NG, step=STEP)
        def _(grp):
            kidx = lax.div(grp - wid, STEP)
            bnk = lax.rem(kidx, 2) * NB
            first = grp == wid
            nxt = grp + STEP

            @pl.when(jnp.logical_not(first))
            def _():
                pltpu.make_async_copy(
                    e_hbm.at[0, pl.ds(grp * GE, GE)], src_v, isem_s).wait()
                pltpu.make_async_copy(
                    typ_hbm.at[pl.ds(grp * GE, GE)], typ_v, isem_t).wait()
                pltpu.make_async_copy(
                    e_hbm.at[1, pl.ds(grp * GE, GE)], dst1_v, isem_d).wait()

            for j in range(NB):
                @pl.loop(0, CH, step=LANES)
                def _(i):
                    sl = pl.ds(i, LANES)
                    fl = pl.ds(j * CH + i, LANES)
                    g_v[j, sl] = typ_v[fl] * N + src_v[fl]
                    dst_v[bnk + j, sl] = dst1_v[fl]

            gathers = []
            for j in range(NB):
                @pl.when(jnp.logical_not(first))
                def _():
                    pltpu.make_async_copy(
                        rows_v.at[j], acc.at[dst_v.at[j]], ssems[j]).wait()

                gathers.append(pltpu.async_copy(
                    h_hbm.at[g_v.at[j]], rows_v.at[j], gsems[j]))

            @pl.when(nxt < NG)
            def _():
                pltpu.async_copy(e_hbm.at[0, pl.ds(nxt * GE, GE)],
                                 src_v, isem_s)
                pltpu.async_copy(typ_hbm.at[pl.ds(nxt * GE, GE)],
                                 typ_v, isem_t)
                pltpu.async_copy(e_hbm.at[1, pl.ds(nxt * GE, GE)],
                                 dst1_v, isem_d)

            @pl.when(first)
            def _():
                @pl.when(s < NS - 1)
                def _():
                    pltpu.make_async_copy(
                        z_hbm.at[pl.ds(0, RPT)],
                        acc.at[pl.ds(row0, RPT)], zsem).wait()

                @pl.when(s == NS - 1)
                def _():
                    pltpu.make_async_copy(
                        z_hbm, acc.at[pl.ds(row0, RPT_LAST)], zsem).wait()

                plsc.subcore_barrier()

            for j in range(NB):
                gathers[j].wait()
                pltpu.async_copy(rows_v.at[j], acc.at[dst_v.at[bnk + j]],
                                 ssems[j], add=True)

        for j in range(NB):
            pltpu.make_async_copy(
                rows_v.at[j], acc.at[dst_v.at[j]], ssems[j]).wait()

        plsc.subcore_barrier()

        @pl.when(s < NS - 1)
        def _():
            pltpu.sync_copy(acc.at[pl.ds(row0, RPT)],
                            out_hbm.at[c, pl.ds(row0, RPT)])

        @pl.when(s == NS - 1)
        def _():
            pltpu.sync_copy(acc.at[pl.ds(row0, RPT_LAST)],
                            out_hbm.at[c, pl.ds(row0, RPT_LAST)])

    return k(h_flat, edges, typ, zrows)


def _update_body(x_ref, p_ref, wu_ref, b_ref, g_ref, be_ref, o_ref):
    x = x_ref[...]
    agg = p_ref[0] + p_ref[1]
    wu = wu_ref[...]
    u = lax.dot_general(x, wu[:, :D], (((1,), (1,)), ((), ())),
                        preferred_element_type=jnp.float32)
    u = u + lax.dot_general(agg, wu[:, D:], (((1,), (1,)), ((), ())),
                            preferred_element_type=jnp.float32)
    u = jnp.maximum(u + b_ref[0][None, :], 0.0)
    z = x + u
    mu = jnp.mean(z, axis=-1, keepdims=True)
    zc = z - mu
    var = jnp.mean(zc * zc, axis=-1, keepdims=True)
    o_ref[...] = zc * lax.rsqrt(var + 1e-5) * g_ref[0][None, :] + be_ref[0][None, :]


def _update(x, p, W_up, b_up, gamma, beta):
    return pl.pallas_call(
        _update_body,
        grid=(N // BLK_B,),
        in_specs=[
            pl.BlockSpec((BLK_B, D), lambda i: (i, 0)),
            pl.BlockSpec((NC, BLK_B, D), lambda i: (0, i, 0)),
            pl.BlockSpec((D, 2 * D), lambda i: (0, 0)),
            pl.BlockSpec((1, D), lambda i: (0, 0)),
            pl.BlockSpec((1, D), lambda i: (0, 0)),
            pl.BlockSpec((1, D), lambda i: (0, 0)),
        ],
        out_specs=pl.BlockSpec((BLK_B, D), lambda i: (i, 0)),
        out_shape=jax.ShapeDtypeStruct((N, D), jnp.float32),
    )(x, p, W_up, b_up.reshape(1, D), gamma.reshape(1, D), beta.reshape(1, D))


def kernel(node_features, edge_indices, edge_types, W_msg, b_msg, W_up, b_up, gamma, beta):
    x = node_features
    h = _make_msg_table(x, W_msg, b_msg)
    zrows = jnp.zeros((RPT_LAST, D), jnp.float32)
    p = _sc_aggregate(h.reshape(T * N, D), edge_indices, edge_types, zrows)
    return _update(x, p, W_up, b_up, gamma, beta)

# --- scband reference (transcript-rebuilt; emitter-appended) ---
"""Pipeline reference for scband-legal-graph-conv-layer-867583393905 (READ-ONLY COPY).

The authoritative reference and input builder live on the scoring server;
editing this copy changes nothing except your own understanding.
"""

import jax, jax.numpy as jnp
import numpy as np

N = 10000
E = 320000
D = 128
NUM_TYPES = 5


def layer_norm(x, gamma, beta, eps=1e-5):
    mu = jnp.mean(x, axis=-1, keepdims=True)
    var = jnp.var(x, axis=-1, keepdims=True)
    return (x - mu) / jnp.sqrt(var + eps) * gamma + beta


def setup_inputs(seed: int = 0) -> dict:
    key = jax.random.key(seed)
    ks = jax.random.split(key, 8)
    node_features = jax.random.normal(ks[0], (N, D), dtype=jnp.float32)
    edge_indices = jax.random.randint(ks[1], (2, E), 0, N, dtype=jnp.int32)
    edge_types = jax.random.randint(ks[2], (E,), 0, NUM_TYPES, dtype=jnp.int32)
    # learned parameters: 5 per-edge-type message linears, update linear (2D->D), layernorm
    W_msg = jax.random.normal(ks[3], (NUM_TYPES, D, D), dtype=jnp.float32) * 0.02
    b_msg = jnp.zeros((NUM_TYPES, D), dtype=jnp.float32)
    W_up = jax.random.normal(ks[4], (D, 2 * D), dtype=jnp.float32) * 0.02
    b_up = jnp.zeros((D,), dtype=jnp.float32)
    gamma = jnp.ones((D,), dtype=jnp.float32)
    beta = jnp.zeros((D,), dtype=jnp.float32)
    return {
        "node_features": node_features,
        "edge_indices": edge_indices,
        "edge_types": edge_types,
        "W_msg": W_msg,
        "b_msg": b_msg,
        "W_up": W_up,
        "b_up": b_up,
        "gamma": gamma,
        "beta": beta,
    }


def reference(node_features, edge_indices, edge_types, W_msg, b_msg, W_up, b_up, gamma, beta):
    src = edge_indices[0]
    dst = edge_indices[1]
    src_feat = jnp.take(node_features, src, axis=0)  # gather [E, D]
    agg = jnp.zeros_like(node_features)
    for t in range(NUM_TYPES):
        m = (edge_types == t).astype(jnp.float32)[:, None]
        # per-type message linear; masking by type is equivalent to selecting the
        # subset of edges of this type (bias is also masked, matching torch code)
        msgs = (src_feat @ W_msg[t].T + b_msg[t]) * m
        agg = agg.at[dst].add(msgs)  # scatter-add over target nodes
    combined = jnp.concatenate([node_features, agg], axis=-1)
    updated = jax.nn.relu(combined @ W_up.T + b_up)  # dropout is identity in eval
    out = layer_norm(node_features + updated, gamma, beta)
    return out

if __name__ == "__main__":
    import jax
    _d = setup_inputs()
    print(jax.jit(kernel)(*tuple(_d.values())))

</pallas_src>

<mosaic_0001>
#map = affine_map<(d0, d1) -> (0, 0)>
#map1 = affine_map<(d0, d1) -> (0)>
#map2 = affine_map<(d0, d1) -> (0, 0, 0)>
module attributes {stable_mosaic.version = 14 : i64} {
  func.func @k(%arg0: i32, %arg1: i32, %arg2: memref<50000x128xf32, #tpu.memory_space<hbm>>, %arg3: memref<2x320000xi32, #tpu.memory_space<hbm>>, %arg4: memref<320000xi32, #tpu.memory_space<hbm>>, %arg5: memref<640x128xf32, #tpu.memory_space<hbm>>, %arg6: memref<2x10000x128xf32, #tpu.memory_space<hbm>>, %arg7: memref<256xi32, #tpu.memory_space<vmem>>, %arg8: memref<8x64xi32, #tpu.memory_space<vmem>>, %arg9: memref<256xi32, #tpu.memory_space<vmem>>, %arg10: memref<256xi32, #tpu.memory_space<vmem>>, %arg11: memref<4x64xi32, #tpu.memory_space<vmem>>, %arg12: memref<4x64x128xf32, #tpu.memory_space<vmem>>, %arg13: memref<10000x128xf32, #tpu.memory_space<vmem_shared>>, %arg14: memref<!tpu.dma_semaphore, #tpu.memory_space<semaphore_mem>>, %arg15: memref<!tpu.dma_semaphore, #tpu.memory_space<semaphore_mem>>, %arg16: memref<!tpu.dma_semaphore, #tpu.memory_space<semaphore_mem>>, %arg17: memref<!tpu.dma_semaphore, #tpu.memory_space<semaphore_mem>>, %arg18: memref<!tpu.dma_semaphore, #tpu.memory_space<semaphore_mem>>, %arg19: memref<!tpu.dma_semaphore, #tpu.memory_space<semaphore_mem>>, %arg20: memref<!tpu.dma_semaphore, #tpu.memory_space<semaphore_mem>>, %arg21: memref<!tpu.dma_semaphore, #tpu.memory_space<semaphore_mem>>, %arg22: memref<!tpu.dma_semaphore, #tpu.memory_space<semaphore_mem>>, %arg23: memref<!tpu.dma_semaphore, #tpu.memory_space<semaphore_mem>>, %arg24: memref<!tpu.dma_semaphore, #tpu.memory_space<semaphore_mem>>, %arg25: memref<!tpu.dma_semaphore, #tpu.memory_space<semaphore_mem>>) attributes {dimension_semantics = [#tpu.dimension_semantics<core_parallel>, #tpu.dimension_semantics<subcore_parallel>], iteration_bounds = array<i64: 2, 16>, scalar_prefetch = 0 : i64, scratch_operands = 19 : i64, tpu.core_type = #tpu.core_type<sc_vector_subcore>, window_params = [{transform_indices = #map}, {transform_indices = #map}, {transform_indices = #map1}, {transform_indices = #map}, {transform_indices = #map2}]} {
    %mul3A = arith.constant 16 : i32
    %mul3A_0 = arith.muli %arg0, %mul3A : i32
    %add3A = arith.addi %mul3A_0, %arg1 : i32
    %mul3A_1 = arith.constant 624 : i32
    %mul3A_2 = arith.muli %arg1, %mul3A_1 : i32
    %lt3A = arith.constant 15 : i32
    %lt3A_3 = arith.cmpi slt, %arg1, %lt3A : i32
    %convert_element_type3A = arith.extui %lt3A_3 : i1 to i32
    %cond3A = arith.constant 0 : i32
    %cond3A_4 = arith.cmpi ne, %convert_element_type3A, %cond3A : i32
    scf.if %cond3A_4 {
      %dma_start3A = arith.constant 0 : i32
      %dma_start3A_88 = tpu.memref_slice %arg13[%mul3A_2, %dma_start3A] : memref<10000x128xf32, #tpu.memory_space<vmem_shared>> -> memref<624x128xf32, #tpu.memory_space<vmem_shared>>
      %dma_start3A_89 = arith.constant 0 : i32
      %dma_start3A_90 = arith.constant 0 : i32
      %dma_start3A_91 = tpu.memref_slice %arg5[%dma_start3A_89, %dma_start3A_90] : memref<640x128xf32, #tpu.memory_space<hbm>> -> memref<624x128xf32, #tpu.memory_space<hbm>>
      tpu.enqueue_dma source(%dma_start3A_91 : memref<624x128xf32, #tpu.memory_space<hbm>>) target(%dma_start3A_88 : memref<624x128xf32, #tpu.memory_space<vmem_shared>>) target_semaphore(%arg25 : memref<!tpu.dma_semaphore, #tpu.memory_space<semaphore_mem>>)
    } else {
    }
    %eq3A = arith.constant 15 : i32
    %eq3A_5 = arith.cmpi eq, %arg1, %eq3A : i32
    %convert_element_type3A_6 = arith.extui %eq3A_5 : i1 to i32
    %cond3A_7 = arith.constant 0 : i32
    %cond3A_8 = arith.cmpi ne, %convert_element_type3A_6, %cond3A_7 : i32
    scf.if %cond3A_8 {
      %dma_start3A = arith.constant 0 : i32
      %dma_start3A_88 = tpu.memref_slice %arg13[%mul3A_2, %dma_start3A] : memref<10000x128xf32, #tpu.memory_space<vmem_shared>> -> memref<640x128xf32, #tpu.memory_space<vmem_shared>>
      tpu.enqueue_dma source(%arg5 : memref<640x128xf32, #tpu.memory_space<hbm>>) target(%dma_start3A_88 : memref<640x128xf32, #tpu.memory_space<vmem_shared>>) target_semaphore(%arg25 : memref<!tpu.dma_semaphore, #tpu.memory_space<semaphore_mem>>)
    } else {
    }
    %mul3A_9 = arith.constant 256 : i32
    %mul3A_10 = arith.muli %add3A, %mul3A_9 : i32
    %run_scoped3A = arith.constant 0 : i32
    "tpu.region"() ({
      %run_scoped3A_88 = tpu.sem_alloc : memref<!tpu.dma_semaphore, #tpu.memory_space<semaphore_mem>>
      %dma_start3A = tpu.memref_slice %arg3[%run_scoped3A, %mul3A_10] : memref<2x320000xi32, #tpu.memory_space<hbm>> -> memref<1x256xi32, #tpu.memory_space<hbm>>
      %dma_start3A_89 = tpu.memref_squeeze %dma_start3A : memref<1x256xi32, #tpu.memory_space<hbm>> -> memref<256xi32, #tpu.memory_space<hbm>>
      %dma_start3A_90 = tpu.memref_slice %arg3[%run_scoped3A, %mul3A_10] : memref<2x320000xi32, #tpu.memory_space<hbm>> -> memref<1x256xi32, #tpu.memory_space<hbm>>
      %dma_start3A_91 = tpu.memref_squeeze %dma_start3A_90 : memref<1x256xi32, #tpu.memory_space<hbm>> -> memref<256xi32, #tpu.memory_space<hbm>>
      tpu.enqueue_dma source(%dma_start3A_91 : memref<256xi32, #tpu.memory_space<hbm>>) target(%arg7 : memref<256xi32, #tpu.memory_space<vmem>>) target_semaphore(%run_scoped3A_88 : memref<!tpu.dma_semaphore, #tpu.memory_space<semaphore_mem>>)
      %dma_wait3A_92 = tpu.memref_slice %arg3[%run_scoped3A, %mul3A_10] : memref<2x320000xi32, #tpu.memory_space<hbm>> -> memref<1x256xi32, #tpu.memory_space<hbm>>
      %dma_wait3A_93 = tpu.memref_squeeze %dma_wait3A_92 : memref<1x256xi32, #tpu.memory_space<hbm>> -> memref<256xi32, #tpu.memory_space<hbm>>
      %dma_wait3A_94 = tpu.memref_slice %arg3[%run_scoped3A, %mul3A_10] : memref<2x320000xi32, #tpu.memory_space<hbm>> -> memref<1x256xi32, #tpu.memory_space<hbm>>
      %dma_wait3A_95 = tpu.memref_squeeze %dma_wait3A_94 : memref<1x256xi32, #tpu.memory_space<hbm>> -> memref<256xi32, #tpu.memory_space<hbm>>
      tpu.wait_dma2 semaphore(%run_scoped3A_88 : memref<!tpu.dma_semaphore, #tpu.memory_space<semaphore_mem>>) src(%dma_wait3A_95 : memref<256xi32, #tpu.memory_space<hbm>>) dst(%arg7 : memref<256xi32, #tpu.memory_space<vmem>>)
      tpu.yield
    }) : () -> ()
    %mul3A_11 = arith.constant 256 : i32
    %mul3A_12 = arith.muli %add3A, %mul3A_11 : i32
    "tpu.region"() ({
      %run_scoped3A_88 = tpu.sem_alloc : memref<!tpu.dma_semaphore, #tpu.memory_space<semaphore_mem>>
      %dma_start3A = tpu.memref_slice %arg4[%mul3A_12] : memref<320000xi32, #tpu.memory_space<hbm>> -> memref<256xi32, #tpu.memory_space<hbm>>
      %dma_start3A_89 = tpu.memref_slice %arg4[%mul3A_12] : memref<320000xi32, #tpu.memory_space<hbm>> -> memref<256xi32, #tpu.memory_space<hbm>>
      tpu.enqueue_dma source(%dma_start3A_89 : memref<256xi32, #tpu.memory_space<hbm>>) target(%arg9 : memref<256xi32, #tpu.memory_space<vmem>>) target_semaphore(%run_scoped3A_88 : memref<!tpu.dma_semaphore, #tpu.memory_space<semaphore_mem>>)
      %dma_wait3A_90 = tpu.memref_slice %arg4[%mul3A_12] : memref<320000xi32, #tpu.memory_space<hbm>> -> memref<256xi32, #tpu.memory_space<hbm>>
      %dma_wait3A_91 = tpu.memref_slice %arg4[%mul3A_12] : memref<320000xi32, #tpu.memory_space<hbm>> -> memref<256xi32, #tpu.memory_space<hbm>>
      tpu.wait_dma2 semaphore(%run_scoped3A_88 : memref<!tpu.dma_semaphore, #tpu.memory_space<semaphore_mem>>) src(%dma_wait3A_91 : memref<256xi32, #tpu.memory_space<hbm>>) dst(%arg9 : memref<256xi32, #tpu.memory_space<vmem>>)
      tpu.yield
    }) : () -> ()
    %mul3A_13 = arith.constant 256 : i32
    %mul3A_14 = arith.muli %add3A, %mul3A_13 : i32
    %run_scoped3A_15 = arith.constant 1 : i32
    "tpu.region"() ({
      %run_scoped3A_88 = tpu.sem_alloc : memref<!tpu.dma_semaphore, #tpu.memory_space<semaphore_mem>>
      %dma_start3A = tpu.memref_slice %arg3[%run_scoped3A_15, %mul3A_14] : memref<2x320000xi32, #tpu.memory_space<hbm>> -> memref<1x256xi32, #tpu.memory_space<hbm>>
      %dma_start3A_89 = tpu.memref_squeeze %dma_start3A : memref<1x256xi32, #tpu.memory_space<hbm>> -> memref<256xi32, #tpu.memory_space<hbm>>
      %dma_start3A_90 = tpu.memref_slice %arg3[%run_scoped3A_15, %mul3A_14] : memref<2x320000xi32, #tpu.memory_space<hbm>> -> memref<1x256xi32, #tpu.memory_space<hbm>>
      %dma_start3A_91 = tpu.memref_squeeze %dma_start3A_90 : memref<1x256xi32, #tpu.memory_space<hbm>> -> memref<256xi32, #tpu.memory_space<hbm>>
      tpu.enqueue_dma source(%dma_start3A_91 : memref<256xi32, #tpu.memory_space<hbm>>) target(%arg10 : memref<256xi32, #tpu.memory_space<vmem>>) target_semaphore(%run_scoped3A_88 : memref<!tpu.dma_semaphore, #tpu.memory_space<semaphore_mem>>)
      %dma_wait3A_92 = tpu.memref_slice %arg3[%run_scoped3A_15, %mul3A_14] : memref<2x320000xi32, #tpu.memory_space<hbm>> -> memref<1x256xi32, #tpu.memory_space<hbm>>
      %dma_wait3A_93 = tpu.memref_squeeze %dma_wait3A_92 : memref<1x256xi32, #tpu.memory_space<hbm>> -> memref<256xi32, #tpu.memory_space<hbm>>
      %dma_wait3A_94 = tpu.memref_slice %arg3[%run_scoped3A_15, %mul3A_14] : memref<2x320000xi32, #tpu.memory_space<hbm>> -> memref<1x256xi32, #tpu.memory_space<hbm>>
      %dma_wait3A_95 = tpu.memref_squeeze %dma_wait3A_94 : memref<1x256xi32, #tpu.memory_space<hbm>> -> memref<256xi32, #tpu.memory_space<hbm>>
      tpu.wait_dma2 semaphore(%run_scoped3A_88 : memref<!tpu.dma_semaphore, #tpu.memory_space<semaphore_mem>>) src(%dma_wait3A_95 : memref<256xi32, #tpu.memory_space<hbm>>) dst(%arg10 : memref<256xi32, #tpu.memory_space<vmem>>)
      tpu.yield
    }) : () -> ()
    %sub3A = arith.constant 1250 : i32
    %sub3A_16 = arith.subi %sub3A, %add3A : i32
    %sub3A_17 = arith.constant 32 : i32
    %sub3A_18 = arith.constant 1 : i32
    %sub3A_19 = arith.subi %sub3A_17, %sub3A_18 : i32
    %add3A_20 = arith.addi %sub3A_16, %sub3A_19 : i32
    %div3A = arith.constant 32 : i32
    %div3A_21 = arith.divsi %add3A_20, %div3A : i32
    %while3A = arith.constant 32 : i32
    %while3A_22 = arith.constant 0 : i32
    %while3A_23 = arith.subi %div3A_21, %while3A_22 : i32
    %while3A_24 = arith.addi %while3A_22, %while3A_23 : i32
    %while3A_25 = arith.constant 1 : i32
    %while3A_26 = arith.divsi %while3A_23, %while3A_25 : i32
    %while3A_27 = arith.muli %while3A_26, %while3A_25 : i32
    %while3A_28 = arith.addi %while3A_22, %while3A_27 : i32
    %while3A_29 = arith.constant 1 : i32
    scf.for %while3A_88 = %while3A_22 to %while3A_28 step %while3A_29  : i32 {
      %mul3A_89 = arith.muli %while3A_88, %while3A : i32
      %add3A_90 = arith.addi %add3A, %mul3A_89 : i32
      %sub3A_91 = arith.subi %add3A_90, %add3A : i32
      %div3A_92 = arith.constant 32 : i32
      %div3A_93 = arith.divsi %sub3A_91, %div3A_92 : i32
      %rem3A = arith.constant 2 : i32
      %rem3A_94 = arith.remsi %div3A_93, %rem3A : i32
      %mul3A_95 = arith.constant 4 : i32
      %mul3A_96 = arith.muli %rem3A_94, %mul3A_95 : i32
      %eq3A_97 = arith.cmpi eq, %add3A_90, %add3A : i32
      %add3A_98 = arith.constant 32 : i32
      %add3A_99 = arith.addi %add3A_90, %add3A_98 : i32
      %not3A = arith.constant true
      %not3A_100 = arith.xori %eq3A_97, %not3A : i1
      %convert_element_type3A_101 = arith.extui %not3A_100 : i1 to i32
      %cond3A_102 = arith.constant 0 : i32
      %cond3A_103 = arith.cmpi ne, %convert_element_type3A_101, %cond3A_102 : i32
      scf.if %cond3A_103 {
        %mul3A_298 = arith.constant 256 : i32
        %mul3A_299 = arith.muli %add3A_90, %mul3A_298 : i32
        %dma_wait3A_300 = arith.constant 0 : i32
        %dma_wait3A_301 = tpu.memref_slice %arg3[%dma_wait3A_300, %mul3A_299] : memref<2x320000xi32, #tpu.memory_space<hbm>> -> memref<1x256xi32, #tpu.memory_space<hbm>>
        %dma_wait3A_302 = tpu.memref_squeeze %dma_wait3A_301 : memref<1x256xi32, #tpu.memory_space<hbm>> -> memref<256xi32, #tpu.memory_space<hbm>>
        %dma_wait3A_303 = tpu.memref_slice %arg3[%dma_wait3A_300, %mul3A_299] : memref<2x320000xi32, #tpu.memory_space<hbm>> -> memref<1x256xi32, #tpu.memory_space<hbm>>
        %dma_wait3A_304 = tpu.memref_squeeze %dma_wait3A_303 : memref<1x256xi32, #tpu.memory_space<hbm>> -> memref<256xi32, #tpu.memory_space<hbm>>
        tpu.wait_dma2 semaphore(%arg22 : memref<!tpu.dma_semaphore, #tpu.memory_space<semaphore_mem>>) src(%dma_wait3A_304 : memref<256xi32, #tpu.memory_space<hbm>>) dst(%arg7 : memref<256xi32, #tpu.memory_space<vmem>>)
        %mul3A_305 = arith.constant 256 : i32
        %mul3A_306 = arith.muli %add3A_90, %mul3A_305 : i32
        %dma_wait3A_307 = tpu.memref_slice %arg4[%mul3A_306] : memref<320000xi32, #tpu.memory_space<hbm>> -> memref<256xi32, #tpu.memory_space<hbm>>
        %dma_wait3A_308 = tpu.memref_slice %arg4[%mul3A_306] : memref<320000xi32, #tpu.memory_space<hbm>> -> memref<256xi32, #tpu.memory_space<hbm>>
        tpu.wait_dma2 semaphore(%arg24 : memref<!tpu.dma_semaphore, #tpu.memory_space<semaphore_mem>>) src(%dma_wait3A_308 : memref<256xi32, #tpu.memory_space<hbm>>) dst(%arg9 : memref<256xi32, #tpu.memory_space<vmem>>)
        %mul3A_309 = arith.constant 256 : i32
        %mul3A_310 = arith.muli %add3A_90, %mul3A_309 : i32
        %dma_wait3A_311 = arith.constant 1 : i32
        %dma_wait3A_312 = tpu.memref_slice %arg3[%dma_wait3A_311, %mul3A_310] : memref<2x320000xi32, #tpu.memory_space<hbm>> -> memref<1x256xi32, #tpu.memory_space<hbm>>
        %dma_wait3A_313 = tpu.memref_squeeze %dma_wait3A_312 : memref<1x256xi32, #tpu.memory_space<hbm>> -> memref<256xi32, #tpu.memory_space<hbm>>
        %dma_wait3A_314 = tpu.memref_slice %arg3[%dma_wait3A_311, %mul3A_310] : memref<2x320000xi32, #tpu.memory_space<hbm>> -> memref<1x256xi32, #tpu.memory_space<hbm>>
        %dma_wait3A_315 = tpu.memref_squeeze %dma_wait3A_314 : memref<1x256xi32, #tpu.memory_space<hbm>> -> memref<256xi32, #tpu.memory_space<hbm>>
        tpu.wait_dma2 semaphore(%arg23 : memref<!tpu.dma_semaphore, #tpu.memory_space<semaphore_mem>>) src(%dma_wait3A_315 : memref<256xi32, #tpu.memory_space<hbm>>) dst(%arg10 : memref<256xi32, #tpu.memory_space<vmem>>)
      } else {
      }
      %scan3A = arith.constant 0 : i32
      %scan3A_104 = arith.constant 4 : i32
      %scan3A_105 = arith.addi %scan3A, %scan3A_104 : i32
      %scan3A_106 = arith.constant 1 : i32
      scf.for %scan3A_298 = %scan3A to %scan3A_105 step %scan3A_106  : i32 {
        %mul3A_299 = arith.constant 16 : i32
        %mul3A_300 = arith.muli %scan3A_298, %mul3A_299 : i32
        %add3A_301 = arith.constant 0 : i32
        %add3A_302 = arith.addi %add3A_301, %mul3A_300 : i32
        %add3A_303 = arith.constant 0 : i32
        %add3A_304 = arith.addi %add3A_303, %add3A_302 : i32
        %get3A = arith.index_cast %add3A_304 : i32 to index
        %get3A_305 = tpu.vector_load %arg9[%get3A] {strides = array<i32>} : memref<256xi32, #tpu.memory_space<vmem>>, vector<16xi32>,
        %get3A_306 = vector.shape_cast %get3A_305 : vector<16xi32> to vector<16xi32>
        %mul3A_307 = arith.constant 10000 : i32
        %mul3A_308 = vector.broadcast %mul3A_307 : i32 to vector<16xi32>
        %mul3A_309 = arith.muli %get3A_306, %mul3A_308 : vector<16xi32>
        %get3A_310 = arith.index_cast %add3A_304 : i32 to index
        %get3A_311 = tpu.vector_load %arg7[%get3A_310] {strides = array<i32>} : memref<256xi32, #tpu.memory_space<vmem>>, vector<16xi32>,
        %get3A_312 = vector.shape_cast %get3A_311 : vector<16xi32> to vector<16xi32>
        %add3A_313 = arith.addi %mul3A_309, %get3A_312 : vector<16xi32>
        %swap3A = arith.constant 0 : i32
        %swap3A_314 = arith.index_cast %swap3A : i32 to index
        %swap3A_315 = arith.index_cast %add3A_302 : i32 to index
        %swap3A_316 = tpu.vector_load %arg11[%swap3A_314, %swap3A_315] {strides = array<i32>} : memref<4x64xi32, #tpu.memory_space<vmem>>, vector<1x16xi32>,
        %swap3A_317 = vector.shape_cast %swap3A_316 : vector<1x16xi32> to vector<16xi32>
        %swap3A_318 = vector.shape_cast %add3A_313 : vector<16xi32> to vector<1x16xi32>
        tpu.vector_store %arg11[%swap3A_314, %swap3A_315], %swap3A_318 {strides = array<i32>} : memref<4x64xi32, #tpu.memory_space<vmem>>, vector<1x16xi32>,
        %get3A_319 = arith.index_cast %add3A_304 : i32 to index
        %get3A_320 = tpu.vector_load %arg10[%get3A_319] {strides = array<i32>} : memref<256xi32, #tpu.memory_space<vmem>>, vector<16xi32>,
        %get3A_321 = vector.shape_cast %get3A_320 : vector<16xi32> to vector<16xi32>
        %add3A_322 = arith.constant 0 : i32
        %add3A_323 = arith.addi %mul3A_96, %add3A_322 : i32
        %swap3A_324 = arith.index_cast %add3A_323 : i32 to index
        %swap3A_325 = arith.index_cast %add3A_302 : i32 to index
        %swap3A_326 = tpu.vector_load %arg8[%swap3A_324, %swap3A_325] {strides = array<i32>} : memref<8x64xi32, #tpu.memory_space<vmem>>, vector<1x16xi32>,
        %swap3A_327 = vector.shape_cast %swap3A_326 : vector<1x16xi32> to vector<16xi32>
        %swap3A_328 = vector.shape_cast %get3A_321 : vector<16xi32> to vector<1x16xi32>
        tpu.vector_store %arg8[%swap3A_324, %swap3A_325], %swap3A_328 {strides = array<i32>} : memref<8x64xi32, #tpu.memory_space<vmem>>, vector<1x16xi32>,
      }
      %scan3A_107 = arith.constant 4 : i32
      %scan3A_108 = arith.constant 0 : i32
      %scan3A_109 = arith.constant 4 : i32
      %scan3A_110 = arith.addi %scan3A_108, %scan3A_109 : i32
      %scan3A_111 = arith.constant 1 : i32
      scf.for %scan3A_298 = %scan3A_108 to %scan3A_110 step %scan3A_111  : i32 {
        %mul3A_299 = arith.constant 16 : i32
        %mul3A_300 = arith.muli %scan3A_298, %mul3A_299 : i32
        %add3A_301 = arith.constant 0 : i32
        %add3A_302 = arith.addi %add3A_301, %mul3A_300 : i32
        %add3A_303 = arith.constant 64 : i32
        %add3A_304 = arith.addi %add3A_303, %add3A_302 : i32
        %get3A = arith.index_cast %add3A_304 : i32 to index
        %get3A_305 = tpu.vector_load %arg9[%get3A] {strides = array<i32>} : memref<256xi32, #tpu.memory_space<vmem>>, vector<16xi32>,
        %get3A_306 = vector.shape_cast %get3A_305 : vector<16xi32> to vector<16xi32>
        %mul3A_307 = arith.constant 10000 : i32
        %mul3A_308 = vector.broadcast %mul3A_307 : i32 to vector<16xi32>
        %mul3A_309 = arith.muli %get3A_306, %mul3A_308 : vector<16xi32>
        %get3A_310 = arith.index_cast %add3A_304 : i32 to index
        %get3A_311 = tpu.vector_load %arg7[%get3A_310] {strides = array<i32>} : memref<256xi32, #tpu.memory_space<vmem>>, vector<16xi32>,
        %get3A_312 = vector.shape_cast %get3A_311 : vector<16xi32> to vector<16xi32>
        %add3A_313 = arith.addi %mul3A_309, %get3A_312 : vector<16xi32>
        %swap3A = arith.constant 1 : i32
        %swap3A_314 = arith.index_cast %swap3A : i32 to index
        %swap3A_315 = arith.index_cast %add3A_302 : i32 to index
        %swap3A_316 = tpu.vector_load %arg11[%swap3A_314, %swap3A_315] {strides = array<i32>} : memref<4x64xi32, #tpu.memory_space<vmem>>, vector<1x16xi32>,
        %swap3A_317 = vector.shape_cast %swap3A_316 : vector<1x16xi32> to vector<16xi32>
        %swap3A_318 = vector.shape_cast %add3A_313 : vector<16xi32> to vector<1x16xi32>
        tpu.vector_store %arg11[%swap3A_314, %swap3A_315], %swap3A_318 {strides = array<i32>} : memref<4x64xi32, #tpu.memory_space<vmem>>, vector<1x16xi32>,
        %get3A_319 = arith.index_cast %add3A_304 : i32 to index
        %get3A_320 = tpu.vector_load %arg10[%get3A_319] {strides = array<i32>} : memref<256xi32, #tpu.memory_space<vmem>>, vector<16xi32>,
        %get3A_321 = vector.shape_cast %get3A_320 : vector<16xi32> to vector<16xi32>
        %add3A_322 = arith.constant 1 : i32
        %add3A_323 = arith.addi %mul3A_96, %add3A_322 : i32
        %swap3A_324 = arith.index_cast %add3A_323 : i32 to index
        %swap3A_325 = arith.index_cast %add3A_302 : i32 to index
        %swap3A_326 = tpu.vector_load %arg8[%swap3A_324, %swap3A_325] {strides = array<i32>} : memref<8x64xi32, #tpu.memory_space<vmem>>, vector<1x16xi32>,
        %swap3A_327 = vector.shape_cast %swap3A_326 : vector<1x16xi32> to vector<16xi32>
        %swap3A_328 = vector.shape_cast %get3A_321 : vector<16xi32> to vector<1x16xi32>
        tpu.vector_store %arg8[%swap3A_324, %swap3A_325], %swap3A_328 {strides = array<i32>} : memref<8x64xi32, #tpu.memory_space<vmem>>, vector<1x16xi32>,
      }
      %scan3A_112 = arith.constant 4 : i32
      %scan3A_113 = arith.constant 0 : i32
      %scan3A_114 = arith.constant 4 : i32
      %scan3A_115 = arith.addi %scan3A_113, %scan3A_114 : i32
      %scan3A_116 = arith.constant 1 : i32
      scf.for %scan3A_298 = %scan3A_113 to %scan3A_115 step %scan3A_116  : i32 {
        %mul3A_299 = arith.constant 16 : i32
        %mul3A_300 = arith.muli %scan3A_298, %mul3A_299 : i32
        %add3A_301 = arith.constant 0 : i32
        %add3A_302 = arith.addi %add3A_301, %mul3A_300 : i32
        %add3A_303 = arith.constant 128 : i32
        %add3A_304 = arith.addi %add3A_303, %add3A_302 : i32
        %get3A = arith.index_cast %add3A_304 : i32 to index
        %get3A_305 = tpu.vector_load %arg9[%get3A] {strides = array<i32>} : memref<256xi32, #tpu.memory_space<vmem>>, vector<16xi32>,
        %get3A_306 = vector.shape_cast %get3A_305 : vector<16xi32> to vector<16xi32>
        %mul3A_307 = arith.constant 10000 : i32
        %mul3A_308 = vector.broadcast %mul3A_307 : i32 to vector<16xi32>
        %mul3A_309 = arith.muli %get3A_306, %mul3A_308 : vector<16xi32>
        %get3A_310 = arith.index_cast %add3A_304 : i32 to index
        %get3A_311 = tpu.vector_load %arg7[%get3A_310] {strides = array<i32>} : memref<256xi32, #tpu.memory_space<vmem>>, vector<16xi32>,
        %get3A_312 = vector.shape_cast %get3A_311 : vector<16xi32> to vector<16xi32>
        %add3A_313 = arith.addi %mul3A_309, %get3A_312 : vector<16xi32>
        %swap3A = arith.constant 2 : i32
        %swap3A_314 = arith.index_cast %swap3A : i32 to index
        %swap3A_315 = arith.index_cast %add3A_302 : i32 to index
        %swap3A_316 = tpu.vector_load %arg11[%swap3A_314, %swap3A_315] {strides = array<i32>} : memref<4x64xi32, #tpu.memory_space<vmem>>, vector<1x16xi32>,
        %swap3A_317 = vector.shape_cast %swap3A_316 : vector<1x16xi32> to vector<16xi32>
        %swap3A_318 = vector.shape_cast %add3A_313 : vector<16xi32> to vector<1x16xi32>
        tpu.vector_store %arg11[%swap3A_314, %swap3A_315], %swap3A_318 {strides = array<i32>} : memref<4x64xi32, #tpu.memory_space<vmem>>, vector<1x16xi32>,
        %get3A_319 = arith.index_cast %add3A_304 : i32 to index
        %get3A_320 = tpu.vector_load %arg10[%get3A_319] {strides = array<i32>} : memref<256xi32, #tpu.memory_space<vmem>>, vector<16xi32>,
        %get3A_321 = vector.shape_cast %get3A_320 : vector<16xi32> to vector<16xi32>
        %add3A_322 = arith.constant 2 : i32
        %add3A_323 = arith.addi %mul3A_96, %add3A_322 : i32
        %swap3A_324 = arith.index_cast %add3A_323 : i32 to index
        %swap3A_325 = arith.index_cast %add3A_302 : i32 to index
        %swap3A_326 = tpu.vector_load %arg8[%swap3A_324, %swap3A_325] {strides = array<i32>} : memref<8x64xi32, #tpu.memory_space<vmem>>, vector<1x16xi32>,
        %swap3A_327 = vector.shape_cast %swap3A_326 : vector<1x16xi32> to vector<16xi32>
        %swap3A_328 = vector.shape_cast %get3A_321 : vector<16xi32> to vector<1x16xi32>
        tpu.vector_store %arg8[%swap3A_324, %swap3A_325], %swap3A_328 {strides = array<i32>} : memref<8x64xi32, #tpu.memory_space<vmem>>, vector<1x16xi32>,
      }
      %scan3A_117 = arith.constant 4 : i32
      %scan3A_118 = arith.constant 0 : i32
      %scan3A_119 = arith.constant 4 : i32
      %scan3A_120 = arith.addi %scan3A_118, %scan3A_119 : i32
      %scan3A_121 = arith.constant 1 : i32
      scf.for %scan3A_298 = %scan3A_118 to %scan3A_120 step %scan3A_121  : i32 {
        %mul3A_299 = arith.constant 16 : i32
        %mul3A_300 = arith.muli %scan3A_298, %mul3A_299 : i32
        %add3A_301 = arith.constant 0 : i32
        %add3A_302 = arith.addi %add3A_301, %mul3A_300 : i32
        %add3A_303 = arith.constant 192 : i32
        %add3A_304 = arith.addi %add3A_303, %add3A_302 : i32
        %get3A = arith.index_cast %add3A_304 : i32 to index
        %get3A_305 = tpu.vector_load %arg9[%get3A] {strides = array<i32>} : memref<256xi32, #tpu.memory_space<vmem>>, vector<16xi32>,
        %get3A_306 = vector.shape_cast %get3A_305 : vector<16xi32> to vector<16xi32>
        %mul3A_307 = arith.constant 10000 : i32
        %mul3A_308 = vector.broadcast %mul3A_307 : i32 to vector<16xi32>
        %mul3A_309 = arith.muli %get3A_306, %mul3A_308 : vector<16xi32>
        %get3A_310 = arith.index_cast %add3A_304 : i32 to index
        %get3A_311 = tpu.vector_load %arg7[%get3A_310] {strides = array<i32>} : memref<256xi32, #tpu.memory_space<vmem>>, vector<16xi32>,
        %get3A_312 = vector.shape_cast %get3A_311 : vector<16xi32> to vector<16xi32>
        %add3A_313 = arith.addi %mul3A_309, %get3A_312 : vector<16xi32>
        %swap3A = arith.constant 3 : i32
        %swap3A_314 = arith.index_cast %swap3A : i32 to index
        %swap3A_315 = arith.index_cast %add3A_302 : i32 to index
        %swap3A_316 = tpu.vector_load %arg11[%swap3A_314, %swap3A_315] {strides = array<i32>} : memref<4x64xi32, #tpu.memory_space<vmem>>, vector<1x16xi32>,
        %swap3A_317 = vector.shape_cast %swap3A_316 : vector<1x16xi32> to vector<16xi32>
        %swap3A_318 = vector.shape_cast %add3A_313 : vector<16xi32> to vector<1x16xi32>
        tpu.vector_store %arg11[%swap3A_314, %swap3A_315], %swap3A_318 {strides = array<i32>} : memref<4x64xi32, #tpu.memory_space<vmem>>, vector<1x16xi32>,
        %get3A_319 = arith.index_cast %add3A_304 : i32 to index
        %get3A_320 = tpu.vector_load %arg10[%get3A_319] {strides = array<i32>} : memref<256xi32, #tpu.memory_space<vmem>>, vector<16xi32>,
        %get3A_321 = vector.shape_cast %get3A_320 : vector<16xi32> to vector<16xi32>
        %add3A_322 = arith.constant 3 : i32
        %add3A_323 = arith.addi %mul3A_96, %add3A_322 : i32
        %swap3A_324 = arith.index_cast %add3A_323 : i32 to index
        %swap3A_325 = arith.index_cast %add3A_302 : i32 to index
        %swap3A_326 = tpu.vector_load %arg8[%swap3A_324, %swap3A_325] {strides = array<i32>} : memref<8x64xi32, #tpu.memory_space<vmem>>, vector<1x16xi32>,
        %swap3A_327 = vector.shape_cast %swap3A_326 : vector<1x16xi32> to vector<16xi32>
        %swap3A_328 = vector.shape_cast %get3A_321 : vector<16xi32> to vector<1x16xi32>
        tpu.vector_store %arg8[%swap3A_324, %swap3A_325], %swap3A_328 {strides = array<i32>} : memref<8x64xi32, #tpu.memory_space<vmem>>, vector<1x16xi32>,
      }
      %scan3A_122 = arith.constant 4 : i32
      %not3A_123 = arith.constant true
      %not3A_124 = arith.xori %eq3A_97, %not3A_123 : i1
      %convert_element_type3A_125 = arith.extui %not3A_124 : i1 to i32
      %cond3A_126 = arith.constant 0 : i32
      %cond3A_127 = arith.cmpi ne, %convert_element_type3A_125, %cond3A_126 : i32
      scf.if %cond3A_127 {
        %dma_wait3A_298 = arith.constant 0 : i32
        %dma_wait3A_299 = arith.constant 0 : i32
        %dma_wait3A_300 = arith.constant 0 : i32
        %dma_wait3A_301 = arith.constant 0 : i32
        %dma_wait3A_302 = tpu.memref_slice %arg12[%dma_wait3A_298, %dma_wait3A_300, %dma_wait3A_301] : memref<4x64x128xf32, #tpu.memory_space<vmem>> -> memref<1x64x128xf32, #tpu.memory_space<vmem>>
        %dma_wait3A_303 = tpu.memref_squeeze %dma_wait3A_302 : memref<1x64x128xf32, #tpu.memory_space<vmem>> -> memref<64x128xf32, #tpu.memory_space<vmem>>
        %dma_wait3A_304 = arith.constant 0 : i32
        %dma_wait3A_305 = tpu.memref_slice %arg8[%dma_wait3A_299, %dma_wait3A_304] : memref<8x64xi32, #tpu.memory_space<vmem>> -> memref<1x64xi32, #tpu.memory_space<vmem>>
        %dma_wait3A_306 = tpu.memref_squeeze %dma_wait3A_305 : memref<1x64xi32, #tpu.memory_space<vmem>> -> memref<64xi32, #tpu.memory_space<vmem>>
        %dma_wait3A_307 = arith.constant 0 : i32
        %dma_wait3A_308 = arith.constant 0 : i32
        %dma_wait3A_309 = tpu.memref_slice %arg13[%dma_wait3A_307, %dma_wait3A_308] : memref<10000x128xf32, #tpu.memory_space<vmem_shared>> -> memref<10000x128xf32, #tpu.memory_space<vmem_shared>>
        tpu.wait_indirect_dma semaphore(%arg18 : memref<!tpu.dma_semaphore, #tpu.memory_space<semaphore_mem>>) src(%dma_wait3A_303 : memref<64x128xf32, #tpu.memory_space<vmem>>) dst(%dma_wait3A_309 : memref<10000x128xf32, #tpu.memory_space<vmem_shared>>)
      } else {
      }
      %dma_start3A = arith.constant 0 : i32
      %dma_start3A_128 = arith.constant 0 : i32
      %dma_start3A_129 = arith.constant 0 : i32
      %dma_start3A_130 = arith.constant 0 : i32
      %dma_start3A_131 = tpu.memref_slice %arg12[%dma_start3A_128, %dma_start3A_129, %dma_start3A_130] : memref<4x64x128xf32, #tpu.memory_space<vmem>> -> memref<1x64x128xf32, #tpu.memory_space<vmem>>
      %dma_start3A_132 = tpu.memref_squeeze %dma_start3A_131 : memref<1x64x128xf32, #tpu.memory_space<vmem>> -> memref<64x128xf32, #tpu.memory_space<vmem>>
      %dma_start3A_133 = arith.constant 0 : i32
      %dma_start3A_134 = tpu.memref_slice %arg11[%dma_start3A, %dma_start3A_133] : memref<4x64xi32, #tpu.memory_space<vmem>> -> memref<1x64xi32, #tpu.memory_space<vmem>>
      %dma_start3A_135 = tpu.memref_squeeze %dma_start3A_134 : memref<1x64xi32, #tpu.memory_space<vmem>> -> memref<64xi32, #tpu.memory_space<vmem>>
      %dma_start3A_136 = arith.constant 0 : i32
      %dma_start3A_137 = arith.constant 0 : i32
      %dma_start3A_138 = tpu.memref_slice %arg2[%dma_start3A_136, %dma_start3A_137] : memref<50000x128xf32, #tpu.memory_space<hbm>> -> memref<50000x128xf32, #tpu.memory_space<hbm>>
      tpu.enqueue_indirect_dma source(%dma_start3A_138 : memref<50000x128xf32, #tpu.memory_space<hbm>>) target(%dma_start3A_132 : memref<64x128xf32, #tpu.memory_space<vmem>>) offsets(%dma_start3A_135 : memref<64xi32, #tpu.memory_space<vmem>>) semaphore(%arg14 : memref<!tpu.dma_semaphore, #tpu.memory_space<semaphore_mem>>)
      %not3A_139 = arith.constant true
      %not3A_140 = arith.xori %eq3A_97, %not3A_139 : i1
      %convert_element_type3A_141 = arith.extui %not3A_140 : i1 to i32
      %cond3A_142 = arith.constant 0 : i32
      %cond3A_143 = arith.cmpi ne, %convert_element_type3A_141, %cond3A_142 : i32
      scf.if %cond3A_143 {
        %dma_wait3A_298 = arith.constant 1 : i32
        %dma_wait3A_299 = arith.constant 1 : i32
        %dma_wait3A_300 = arith.constant 0 : i32
        %dma_wait3A_301 = arith.constant 0 : i32
        %dma_wait3A_302 = tpu.memref_slice %arg12[%dma_wait3A_298, %dma_wait3A_300, %dma_wait3A_301] : memref<4x64x128xf32, #tpu.memory_space<vmem>> -> memref<1x64x128xf32, #tpu.memory_space<vmem>>
        %dma_wait3A_303 = tpu.memref_squeeze %dma_wait3A_302 : memref<1x64x128xf32, #tpu.memory_space<vmem>> -> memref<64x128xf32, #tpu.memory_space<vmem>>
        %dma_wait3A_304 = arith.constant 0 : i32
        %dma_wait3A_305 = tpu.memref_slice %arg8[%dma_wait3A_299, %dma_wait3A_304] : memref<8x64xi32, #tpu.memory_space<vmem>> -> memref<1x64xi32, #tpu.memory_space<vmem>>
        %dma_wait3A_306 = tpu.memref_squeeze %dma_wait3A_305 : memref<1x64xi32, #tpu.memory_space<vmem>> -> memref<64xi32, #tpu.memory_space<vmem>>
        %dma_wait3A_307 = arith.constant 0 : i32
        %dma_wait3A_308 = arith.constant 0 : i32
        %dma_wait3A_309 = tpu.memref_slice %arg13[%dma_wait3A_307, %dma_wait3A_308] : memref<10000x128xf32, #tpu.memory_space<vmem_shared>> -> memref<10000x128xf32, #tpu.memory_space<vmem_shared>>
        tpu.wait_indirect_dma semaphore(%arg19 : memref<!tpu.dma_semaphore, #tpu.memory_space<semaphore_mem>>) src(%dma_wait3A_303 : memref<64x128xf32, #tpu.memory_space<vmem>>) dst(%dma_wait3A_309 : memref<10000x128xf32, #tpu.memory_space<vmem_shared>>)
      } else {
      }
      %dma_start3A_144 = arith.constant 1 : i32
      %dma_start3A_145 = arith.constant 1 : i32
      %dma_start3A_146 = arith.constant 0 : i32
      %dma_start3A_147 = arith.constant 0 : i32
      %dma_start3A_148 = tpu.memref_slice %arg12[%dma_start3A_145, %dma_start3A_146, %dma_start3A_147] : memref<4x64x128xf32, #tpu.memory_space<vmem>> -> memref<1x64x128xf32, #tpu.memory_space<vmem>>
      %dma_start3A_149 = tpu.memref_squeeze %dma_start3A_148 : memref<1x64x128xf32, #tpu.memory_space<vmem>> -> memref<64x128xf32, #tpu.memory_space<vmem>>
      %dma_start3A_150 = arith.constant 0 : i32
      %dma_start3A_151 = tpu.memref_slice %arg11[%dma_start3A_144, %dma_start3A_150] : memref<4x64xi32, #tpu.memory_space<vmem>> -> memref<1x64xi32, #tpu.memory_space<vmem>>
      %dma_start3A_152 = tpu.memref_squeeze %dma_start3A_151 : memref<1x64xi32, #tpu.memory_space<vmem>> -> memref<64xi32, #tpu.memory_space<vmem>>
      %dma_start3A_153 = arith.constant 0 : i32
      %dma_start3A_154 = arith.constant 0 : i32
      %dma_start3A_155 = tpu.memref_slice %arg2[%dma_start3A_153, %dma_start3A_154] : memref<50000x128xf32, #tpu.memory_space<hbm>> -> memref<50000x128xf32, #tpu.memory_space<hbm>>
      tpu.enqueue_indirect_dma source(%dma_start3A_155 : memref<50000x128xf32, #tpu.memory_space<hbm>>) target(%dma_start3A_149 : memref<64x128xf32, #tpu.memory_space<vmem>>) offsets(%dma_start3A_152 : memref<64xi32, #tpu.memory_space<vmem>>) semaphore(%arg15 : memref<!tpu.dma_semaphore, #tpu.memory_space<semaphore_mem>>)
      %not3A_156 = arith.constant true
      %not3A_157 = arith.xori %eq3A_97, %not3A_156 : i1
      %convert_element_type3A_158 = arith.extui %not3A_157 : i1 to i32
      %cond3A_159 = arith.constant 0 : i32
      %cond3A_160 = arith.cmpi ne, %convert_element_type3A_158, %cond3A_159 : i32
      scf.if %cond3A_160 {
        %dma_wait3A_298 = arith.constant 2 : i32
        %dma_wait3A_299 = arith.constant 2 : i32
        %dma_wait3A_300 = arith.constant 0 : i32
        %dma_wait3A_301 = arith.constant 0 : i32
        %dma_wait3A_302 = tpu.memref_slice %arg12[%dma_wait3A_298, %dma_wait3A_300, %dma_wait3A_301] : memref<4x64x128xf32, #tpu.memory_space<vmem>> -> memref<1x64x128xf32, #tpu.memory_space<vmem>>
        %dma_wait3A_303 = tpu.memref_squeeze %dma_wait3A_302 : memref<1x64x128xf32, #tpu.memory_space<vmem>> -> memref<64x128xf32, #tpu.memory_space<vmem>>
        %dma_wait3A_304 = arith.constant 0 : i32
        %dma_wait3A_305 = tpu.memref_slice %arg8[%dma_wait3A_299, %dma_wait3A_304] : memref<8x64xi32, #tpu.memory_space<vmem>> -> memref<1x64xi32, #tpu.memory_space<vmem>>
        %dma_wait3A_306 = tpu.memref_squeeze %dma_wait3A_305 : memref<1x64xi32, #tpu.memory_space<vmem>> -> memref<64xi32, #tpu.memory_space<vmem>>
        %dma_wait3A_307 = arith.constant 0 : i32
        %dma_wait3A_308 = arith.constant 0 : i32
        %dma_wait3A_309 = tpu.memref_slice %arg13[%dma_wait3A_307, %dma_wait3A_308] : memref<10000x128xf32, #tpu.memory_space<vmem_shared>> -> memref<10000x128xf32, #tpu.memory_space<vmem_shared>>
        tpu.wait_indirect_dma semaphore(%arg20 : memref<!tpu.dma_semaphore, #tpu.memory_space<semaphore_mem>>) src(%dma_wait3A_303 : memref<64x128xf32, #tpu.memory_space<vmem>>) dst(%dma_wait3A_309 : memref<10000x128xf32, #tpu.memory_space<vmem_shared>>)
      } else {
      }
      %dma_start3A_161 = arith.constant 2 : i32
      %dma_start3A_162 = arith.constant 2 : i32
      %dma_start3A_163 = arith.constant 0 : i32
      %dma_start3A_164 = arith.constant 0 : i32
      %dma_start3A_165 = tpu.memref_slice %arg12[%dma_start3A_162, %dma_start3A_163, %dma_start3A_164] : memref<4x64x128xf32, #tpu.memory_space<vmem>> -> memref<1x64x128xf32, #tpu.memory_space<vmem>>
      %dma_start3A_166 = tpu.memref_squeeze %dma_start3A_165 : memref<1x64x128xf32, #tpu.memory_space<vmem>> -> memref<64x128xf32, #tpu.memory_space<vmem>>
      %dma_start3A_167 = arith.constant 0 : i32
      %dma_start3A_168 = tpu.memref_slice %arg11[%dma_start3A_161, %dma_start3A_167] : memref<4x64xi32, #tpu.memory_space<vmem>> -> memref<1x64xi32, #tpu.memory_space<vmem>>
      %dma_start3A_169 = tpu.memref_squeeze %dma_start3A_168 : memref<1x64xi32, #tpu.memory_space<vmem>> -> memref<64xi32, #tpu.memory_space<vmem>>
      %dma_start3A_170 = arith.constant 0 : i32
      %dma_start3A_171 = arith.constant 0 : i32
      %dma_start3A_172 = tpu.memref_slice %arg2[%dma_start3A_170, %dma_start3A_171] : memref<50000x128xf32, #tpu.memory_space<hbm>> -> memref<50000x128xf32, #tpu.memory_space<hbm>>
      tpu.enqueue_indirect_dma source(%dma_start3A_172 : memref<50000x128xf32, #tpu.memory_space<hbm>>) target(%dma_start3A_166 : memref<64x128xf32, #tpu.memory_space<vmem>>) offsets(%dma_start3A_169 : memref<64xi32, #tpu.memory_space<vmem>>) semaphore(%arg16 : memref<!tpu.dma_semaphore, #tpu.memory_space<semaphore_mem>>)
      %not3A_173 = arith.constant true
      %not3A_174 = arith.xori %eq3A_97, %not3A_173 : i1
      %convert_element_type3A_175 = arith.extui %not3A_174 : i1 to i32
      %cond3A_176 = arith.constant 0 : i32
      %cond3A_177 = arith.cmpi ne, %convert_element_type3A_175, %cond3A_176 : i32
      scf.if %cond3A_177 {
        %dma_wait3A_298 = arith.constant 3 : i32
        %dma_wait3A_299 = arith.constant 3 : i32
        %dma_wait3A_300 = arith.constant 0 : i32
        %dma_wait3A_301 = arith.constant 0 : i32
        %dma_wait3A_302 = tpu.memref_slice %arg12[%dma_wait3A_298, %dma_wait3A_300, %dma_wait3A_301] : memref<4x64x128xf32, #tpu.memory_space<vmem>> -> memref<1x64x128xf32, #tpu.memory_space<vmem>>
        %dma_wait3A_303 = tpu.memref_squeeze %dma_wait3A_302 : memref<1x64x128xf32, #tpu.memory_space<vmem>> -> memref<64x128xf32, #tpu.memory_space<vmem>>
        %dma_wait3A_304 = arith.constant 0 : i32
        %dma_wait3A_305 = tpu.memref_slice %arg8[%dma_wait3A_299, %dma_wait3A_304] : memref<8x64xi32, #tpu.memory_space<vmem>> -> memref<1x64xi32, #tpu.memory_space<vmem>>
        %dma_wait3A_306 = tpu.memref_squeeze %dma_wait3A_305 : memref<1x64xi32, #tpu.memory_space<vmem>> -> memref<64xi32, #tpu.memory_space<vmem>>
        %dma_wait3A_307 = arith.constant 0 : i32
        %dma_wait3A_308 = arith.constant 0 : i32
        %dma_wait3A_309 = tpu.memref_slice %arg13[%dma_wait3A_307, %dma_wait3A_308] : memref<10000x128xf32, #tpu.memory_space<vmem_shared>> -> memref<10000x128xf32, #tpu.memory_space<vmem_shared>>
        tpu.wait_indirect_dma semaphore(%arg21 : memref<!tpu.dma_semaphore, #tpu.memory_space<semaphore_mem>>) src(%dma_wait3A_303 : memref<64x128xf32, #tpu.memory_space<vmem>>) dst(%dma_wait3A_309 : memref<10000x128xf32, #tpu.memory_space<vmem_shared>>)
      } else {
      }
      %dma_start3A_178 = arith.constant 3 : i32
      %dma_start3A_179 = arith.constant 3 : i32
      %dma_start3A_180 = arith.constant 0 : i32
      %dma_start3A_181 = arith.constant 0 : i32
      %dma_start3A_182 = tpu.memref_slice %arg12[%dma_start3A_179, %dma_start3A_180, %dma_start3A_181] : memref<4x64x128xf32, #tpu.memory_space<vmem>> -> memref<1x64x128xf32, #tpu.memory_space<vmem>>
      %dma_start3A_183 = tpu.memref_squeeze %dma_start3A_182 : memref<1x64x128xf32, #tpu.memory_space<vmem>> -> memref<64x128xf32, #tpu.memory_space<vmem>>
      %dma_start3A_184 = arith.constant 0 : i32
      %dma_start3A_185 = tpu.memref_slice %arg11[%dma_start3A_178, %dma_start3A_184] : memref<4x64xi32, #tpu.memory_space<vmem>> -> memref<1x64xi32, #tpu.memory_space<vmem>>
      %dma_start3A_186 = tpu.memref_squeeze %dma_start3A_185 : memref<1x64xi32, #tpu.memory_space<vmem>> -> memref<64xi32, #tpu.memory_space<vmem>>
      %dma_start3A_187 = arith.constant 0 : i32
      %dma_start3A_188 = arith.constant 0 : i32
      %dma_start3A_189 = tpu.memref_slice %arg2[%dma_start3A_187, %dma_start3A_188] : memref<50000x128xf32, #tpu.memory_space<hbm>> -> memref<50000x128xf32, #tpu.memory_space<hbm>>
      tpu.enqueue_indirect_dma source(%dma_start3A_189 : memref<50000x128xf32, #tpu.memory_space<hbm>>) target(%dma_start3A_183 : memref<64x128xf32, #tpu.memory_space<vmem>>) offsets(%dma_start3A_186 : memref<64xi32, #tpu.memory_space<vmem>>) semaphore(%arg17 : memref<!tpu.dma_semaphore, #tpu.memory_space<semaphore_mem>>)
      %lt3A_190 = arith.constant 1250 : i32
      %lt3A_191 = arith.cmpi slt, %add3A_99, %lt3A_190 : i32
      %convert_element_type3A_192 = arith.extui %lt3A_191 : i1 to i32
      %cond3A_193 = arith.constant 0 : i32
      %cond3A_194 = arith.cmpi ne, %convert_element_type3A_192, %cond3A_193 : i32
      scf.if %cond3A_194 {
        %mul3A_298 = arith.constant 256 : i32
        %mul3A_299 = arith.muli %add3A_99, %mul3A_298 : i32
        %dma_start3A_300 = arith.constant 0 : i32
        %dma_start3A_301 = tpu.memref_slice %arg3[%dma_start3A_300, %mul3A_299] : memref<2x320000xi32, #tpu.memory_space<hbm>> -> memref<1x256xi32, #tpu.memory_space<hbm>>
        %dma_start3A_302 = tpu.memref_squeeze %dma_start3A_301 : memref<1x256xi32, #tpu.memory_space<hbm>> -> memref<256xi32, #tpu.memory_space<hbm>>
        %dma_start3A_303 = tpu.memref_slice %arg3[%dma_start3A_300, %mul3A_299] : memref<2x320000xi32, #tpu.memory_space<hbm>> -> memref<1x256xi32, #tpu.memory_space<hbm>>
        %dma_start3A_304 = tpu.memref_squeeze %dma_start3A_303 : memref<1x256xi32, #tpu.memory_space<hbm>> -> memref<256xi32, #tpu.memory_space<hbm>>
        tpu.enqueue_dma source(%dma_start3A_304 : memref<256xi32, #tpu.memory_space<hbm>>) target(%arg7 : memref<256xi32, #tpu.memory_space<vmem>>) target_semaphore(%arg22 : memref<!tpu.dma_semaphore, #tpu.memory_space<semaphore_mem>>)
        %mul3A_305 = arith.constant 256 : i32
        %mul3A_306 = arith.muli %add3A_99, %mul3A_305 : i32
        %dma_start3A_307 = tpu.memref_slice %arg4[%mul3A_306] : memref<320000xi32, #tpu.memory_space<hbm>> -> memref<256xi32, #tpu.memory_space<hbm>>
        %dma_start3A_308 = tpu.memref_slice %arg4[%mul3A_306] : memref<320000xi32, #tpu.memory_space<hbm>> -> memref<256xi32, #tpu.memory_space<hbm>>
        tpu.enqueue_dma source(%dma_start3A_308 : memref<256xi32, #tpu.memory_space<hbm>>) target(%arg9 : memref<256xi32, #tpu.memory_space<vmem>>) target_semaphore(%arg24 : memref<!tpu.dma_semaphore, #tpu.memory_space<semaphore_mem>>)
        %mul3A_309 = arith.constant 256 : i32
        %mul3A_310 = arith.muli %add3A_99, %mul3A_309 : i32
        %dma_start3A_311 = arith.constant 1 : i32
        %dma_start3A_312 = tpu.memref_slice %arg3[%dma_start3A_311, %mul3A_310] : memref<2x320000xi32, #tpu.memory_space<hbm>> -> memref<1x256xi32, #tpu.memory_space<hbm>>
        %dma_start3A_313 = tpu.memref_squeeze %dma_start3A_312 : memref<1x256xi32, #tpu.memory_space<hbm>> -> memref<256xi32, #tpu.memory_space<hbm>>
        %dma_start3A_314 = tpu.memref_slice %arg3[%dma_start3A_311, %mul3A_310] : memref<2x320000xi32, #tpu.memory_space<hbm>> -> memref<1x256xi32, #tpu.memory_space<hbm>>
        %dma_start3A_315 = tpu.memref_squeeze %dma_start3A_314 : memref<1x256xi32, #tpu.memory_space<hbm>> -> memref<256xi32, #tpu.memory_space<hbm>>
        tpu.enqueue_dma source(%dma_start3A_315 : memref<256xi32, #tpu.memory_space<hbm>>) target(%arg10 : memref<256xi32, #tpu.memory_space<vmem>>) target_semaphore(%arg23 : memref<!tpu.dma_semaphore, #tpu.memory_space<semaphore_mem>>)
      } else {
      }
      %convert_element_type3A_195 = arith.extui %eq3A_97 : i1 to i32
      %cond3A_196 = arith.constant 0 : i32
      %cond3A_197 = arith.cmpi ne, %convert_element_type3A_195, %cond3A_196 : i32
      scf.if %cond3A_197 {
        %lt3A_298 = arith.constant 15 : i32
        %lt3A_299 = arith.cmpi slt, %arg1, %lt3A_298 : i32
        %convert_element_type3A_300 = arith.extui %lt3A_299 : i1 to i32
        %cond3A_301 = arith.constant 0 : i32
        %cond3A_302 = arith.cmpi ne, %convert_element_type3A_300, %cond3A_301 : i32
        scf.if %cond3A_302 {
          %dma_wait3A_309 = arith.constant 0 : i32
          %dma_wait3A_310 = tpu.memref_slice %arg13[%mul3A_2, %dma_wait3A_309] : memref<10000x128xf32, #tpu.memory_space<vmem_shared>> -> memref<624x128xf32, #tpu.memory_space<vmem_shared>>
          %dma_wait3A_311 = arith.constant 0 : i32
          %dma_wait3A_312 = arith.constant 0 : i32
          %dma_wait3A_313 = tpu.memref_slice %arg5[%dma_wait3A_311, %dma_wait3A_312] : memref<640x128xf32, #tpu.memory_space<hbm>> -> memref<624x128xf32, #tpu.memory_space<hbm>>
          tpu.wait_dma2 semaphore(%arg25 : memref<!tpu.dma_semaphore, #tpu.memory_space<semaphore_mem>>) src(%dma_wait3A_313 : memref<624x128xf32, #tpu.memory_space<hbm>>) dst(%dma_wait3A_310 : memref<624x128xf32, #tpu.memory_space<vmem_shared>>)
        } else {
        }
        %eq3A_303 = arith.constant 15 : i32
        %eq3A_304 = arith.cmpi eq, %arg1, %eq3A_303 : i32
        %convert_element_type3A_305 = arith.extui %eq3A_304 : i1 to i32
        %cond3A_306 = arith.constant 0 : i32
        %cond3A_307 = arith.cmpi ne, %convert_element_type3A_305, %cond3A_306 : i32
        scf.if %cond3A_307 {
          %dma_wait3A_309 = arith.constant 0 : i32
          %dma_wait3A_310 = tpu.memref_slice %arg13[%mul3A_2, %dma_wait3A_309] : memref<10000x128xf32, #tpu.memory_space<vmem_shared>> -> memref<640x128xf32, #tpu.memory_space<vmem_shared>>
          tpu.wait_dma2 semaphore(%arg25 : memref<!tpu.dma_semaphore, #tpu.memory_space<semaphore_mem>>) src(%arg5 : memref<640x128xf32, #tpu.memory_space<hbm>>) dst(%dma_wait3A_310 : memref<640x128xf32, #tpu.memory_space<vmem_shared>>)
        } else {
        }
        %barrier3A_308 = arith.constant 0 : index
        tpu.barrier barrier_id(%barrier3A_308)
      } else {
      }
      %dma_wait3A_198 = arith.constant 0 : i32
      %dma_wait3A_199 = arith.constant 0 : i32
      %dma_wait3A_200 = arith.constant 0 : i32
      %dma_wait3A_201 = arith.constant 0 : i32
      %dma_wait3A_202 = tpu.memref_slice %arg12[%dma_wait3A_199, %dma_wait3A_200, %dma_wait3A_201] : memref<4x64x128xf32, #tpu.memory_space<vmem>> -> memref<1x64x128xf32, #tpu.memory_space<vmem>>
      %dma_wait3A_203 = tpu.memref_squeeze %dma_wait3A_202 : memref<1x64x128xf32, #tpu.memory_space<vmem>> -> memref<64x128xf32, #tpu.memory_space<vmem>>
      %dma_wait3A_204 = arith.constant 0 : i32
      %dma_wait3A_205 = tpu.memref_slice %arg11[%dma_wait3A_198, %dma_wait3A_204] : memref<4x64xi32, #tpu.memory_space<vmem>> -> memref<1x64xi32, #tpu.memory_space<vmem>>
      %dma_wait3A_206 = tpu.memref_squeeze %dma_wait3A_205 : memref<1x64xi32, #tpu.memory_space<vmem>> -> memref<64xi32, #tpu.memory_space<vmem>>
      %dma_wait3A_207 = arith.constant 0 : i32
      %dma_wait3A_208 = arith.constant 0 : i32
      %dma_wait3A_209 = tpu.memref_slice %arg2[%dma_wait3A_207, %dma_wait3A_208] : memref<50000x128xf32, #tpu.memory_space<hbm>> -> memref<50000x128xf32, #tpu.memory_space<hbm>>
      tpu.wait_indirect_dma semaphore(%arg14 : memref<!tpu.dma_semaphore, #tpu.memory_space<semaphore_mem>>) src(%dma_wait3A_209 : memref<50000x128xf32, #tpu.memory_space<hbm>>) dst(%dma_wait3A_203 : memref<64x128xf32, #tpu.memory_space<vmem>>)
      %add3A_210 = arith.constant 0 : i32
      %add3A_211 = arith.addi %mul3A_96, %add3A_210 : i32
      %dma_start3A_212 = arith.constant 0 : i32
      %dma_start3A_213 = arith.constant 0 : i32
      %dma_start3A_214 = arith.constant 0 : i32
      %dma_start3A_215 = tpu.memref_slice %arg12[%dma_start3A_212, %dma_start3A_213, %dma_start3A_214] : memref<4x64x128xf32, #tpu.memory_space<vmem>> -> memref<1x64x128xf32, #tpu.memory_space<vmem>>
      %dma_start3A_216 = tpu.memref_squeeze %dma_start3A_215 : memref<1x64x128xf32, #tpu.memory_space<vmem>> -> memref<64x128xf32, #tpu.memory_space<vmem>>
      %dma_start3A_217 = arith.constant 0 : i32
      %dma_start3A_218 = tpu.memref_slice %arg8[%add3A_211, %dma_start3A_217] : memref<8x64xi32, #tpu.memory_space<vmem>> -> memref<1x64xi32, #tpu.memory_space<vmem>>
      %dma_start3A_219 = tpu.memref_squeeze %dma_start3A_218 : memref<1x64xi32, #tpu.memory_space<vmem>> -> memref<64xi32, #tpu.memory_space<vmem>>
      %dma_start3A_220 = arith.constant 0 : i32
      %dma_start3A_221 = arith.constant 0 : i32
      %dma_start3A_222 = tpu.memref_slice %arg13[%dma_start3A_220, %dma_start3A_221] : memref<10000x128xf32, #tpu.memory_space<vmem_shared>> -> memref<10000x128xf32, #tpu.memory_space<vmem_shared>>
      tpu.enqueue_indirect_dma source(%dma_start3A_216 : memref<64x128xf32, #tpu.memory_space<vmem>>) target(%dma_start3A_222 : memref<10000x128xf32, #tpu.memory_space<vmem_shared>>) offsets(%dma_start3A_219 : memref<64xi32, #tpu.memory_space<vmem>>) semaphore(%arg18 : memref<!tpu.dma_semaphore, #tpu.memory_space<semaphore_mem>>) {add = true}
      %dma_wait3A_223 = arith.constant 1 : i32
      %dma_wait3A_224 = arith.constant 1 : i32
      %dma_wait3A_225 = arith.constant 0 : i32
      %dma_wait3A_226 = arith.constant 0 : i32
      %dma_wait3A_227 = tpu.memref_slice %arg12[%dma_wait3A_224, %dma_wait3A_225, %dma_wait3A_226] : memref<4x64x128xf32, #tpu.memory_space<vmem>> -> memref<1x64x128xf32, #tpu.memory_space<vmem>>
      %dma_wait3A_228 = tpu.memref_squeeze %dma_wait3A_227 : memref<1x64x128xf32, #tpu.memory_space<vmem>> -> memref<64x128xf32, #tpu.memory_space<vmem>>
      %dma_wait3A_229 = arith.constant 0 : i32
      %dma_wait3A_230 = tpu.memref_slice %arg11[%dma_wait3A_223, %dma_wait3A_229] : memref<4x64xi32, #tpu.memory_space<vmem>> -> memref<1x64xi32, #tpu.memory_space<vmem>>
      %dma_wait3A_231 = tpu.memref_squeeze %dma_wait3A_230 : memref<1x64xi32, #tpu.memory_space<vmem>> -> memref<64xi32, #tpu.memory_space<vmem>>
      %dma_wait3A_232 = arith.constant 0 : i32
      %dma_wait3A_233 = arith.constant 0 : i32
      %dma_wait3A_234 = tpu.memref_slice %arg2[%dma_wait3A_232, %dma_wait3A_233] : memref<50000x128xf32, #tpu.memory_space<hbm>> -> memref<50000x128xf32, #tpu.memory_space<hbm>>
      tpu.wait_indirect_dma semaphore(%arg15 : memref<!tpu.dma_semaphore, #tpu.memory_space<semaphore_mem>>) src(%dma_wait3A_234 : memref<50000x128xf32, #tpu.memory_space<hbm>>) dst(%dma_wait3A_228 : memref<64x128xf32, #tpu.memory_space<vmem>>)
      %add3A_235 = arith.constant 1 : i32
      %add3A_236 = arith.addi %mul3A_96, %add3A_235 : i32
      %dma_start3A_237 = arith.constant 1 : i32
      %dma_start3A_238 = arith.constant 0 : i32
      %dma_start3A_239 = arith.constant 0 : i32
      %dma_start3A_240 = tpu.memref_slice %arg12[%dma_start3A_237, %dma_start3A_238, %dma_start3A_239] : memref<4x64x128xf32, #tpu.memory_space<vmem>> -> memref<1x64x128xf32, #tpu.memory_space<vmem>>
      %dma_start3A_241 = tpu.memref_squeeze %dma_start3A_240 : memref<1x64x128xf32, #tpu.memory_space<vmem>> -> memref<64x128xf32, #tpu.memory_space<vmem>>
      %dma_start3A_242 = arith.constant 0 : i32
      %dma_start3A_243 = tpu.memref_slice %arg8[%add3A_236, %dma_start3A_242] : memref<8x64xi32, #tpu.memory_space<vmem>> -> memref<1x64xi32, #tpu.memory_space<vmem>>
      %dma_start3A_244 = tpu.memref_squeeze %dma_start3A_243 : memref<1x64xi32, #tpu.memory_space<vmem>> -> memref<64xi32, #tpu.memory_space<vmem>>
      %dma_start3A_245 = arith.constant 0 : i32
      %dma_start3A_246 = arith.constant 0 : i32
      %dma_start3A_247 = tpu.memref_slice %arg13[%dma_start3A_245, %dma_start3A_246] : memref<10000x128xf32, #tpu.memory_space<vmem_shared>> -> memref<10000x128xf32, #tpu.memory_space<vmem_shared>>
      tpu.enqueue_indirect_dma source(%dma_start3A_241 : memref<64x128xf32, #tpu.memory_space<vmem>>) target(%dma_start3A_247 : memref<10000x128xf32, #tpu.memory_space<vmem_shared>>) offsets(%dma_start3A_244 : memref<64xi32, #tpu.memory_space<vmem>>) semaphore(%arg19 : memref<!tpu.dma_semaphore, #tpu.memory_space<semaphore_mem>>) {add = true}
      %dma_wait3A_248 = arith.constant 2 : i32
      %dma_wait3A_249 = arith.constant 2 : i32
      %dma_wait3A_250 = arith.constant 0 : i32
      %dma_wait3A_251 = arith.constant 0 : i32
      %dma_wait3A_252 = tpu.memref_slice %arg12[%dma_wait3A_249, %dma_wait3A_250, %dma_wait3A_251] : memref<4x64x128xf32, #tpu.memory_space<vmem>> -> memref<1x64x128xf32, #tpu.memory_space<vmem>>
      %dma_wait3A_253 = tpu.memref_squeeze %dma_wait3A_252 : memref<1x64x128xf32, #tpu.memory_space<vmem>> -> memref<64x128xf32, #tpu.memory_space<vmem>>
      %dma_wait3A_254 = arith.constant 0 : i32
      %dma_wait3A_255 = tpu.memref_slice %arg11[%dma_wait3A_248, %dma_wait3A_254] : memref<4x64xi32, #tpu.memory_space<vmem>> -> memref<1x64xi32, #tpu.memory_space<vmem>>
      %dma_wait3A_256 = tpu.memref_squeeze %dma_wait3A_255 : memref<1x64xi32, #tpu.memory_space<vmem>> -> memref<64xi32, #tpu.memory_space<vmem>>
      %dma_wait3A_257 = arith.constant 0 : i32
      %dma_wait3A_258 = arith.constant 0 : i32
      %dma_wait3A_259 = tpu.memref_slice %arg2[%dma_wait3A_257, %dma_wait3A_258] : memref<50000x128xf32, #tpu.memory_space<hbm>> -> memref<50000x128xf32, #tpu.memory_space<hbm>>
      tpu.wait_indirect_dma semaphore(%arg16 : memref<!tpu.dma_semaphore, #tpu.memory_space<semaphore_mem>>) src(%dma_wait3A_259 : memref<50000x128xf32, #tpu.memory_space<hbm>>) dst(%dma_wait3A_253 : memref<64x128xf32, #tpu.memory_space<vmem>>)
      %add3A_260 = arith.constant 2 : i32
      %add3A_261 = arith.addi %mul3A_96, %add3A_260 : i32
      %dma_start3A_262 = arith.constant 2 : i32
      %dma_start3A_263 = arith.constant 0 : i32
      %dma_start3A_264 = arith.constant 0 : i32
      %dma_start3A_265 = tpu.memref_slice %arg12[%dma_start3A_262, %dma_start3A_263, %dma_start3A_264] : memref<4x64x128xf32, #tpu.memory_space<vmem>> -> memref<1x64x128xf32, #tpu.memory_space<vmem>>
      %dma_start3A_266 = tpu.memref_squeeze %dma_start3A_265 : memref<1x64x128xf32, #tpu.memory_space<vmem>> -> memref<64x128xf32, #tpu.memory_space<vmem>>
      %dma_start3A_267 = arith.constant 0 : i32
      %dma_start3A_268 = tpu.memref_slice %arg8[%add3A_261, %dma_start3A_267] : memref<8x64xi32, #tpu.memory_space<vmem>> -> memref<1x64xi32, #tpu.memory_space<vmem>>
      %dma_start3A_269 = tpu.memref_squeeze %dma_start3A_268 : memref<1x64xi32, #tpu.memory_space<vmem>> -> memref<64xi32, #tpu.memory_space<vmem>>
      %dma_start3A_270 = arith.constant 0 : i32
      %dma_start3A_271 = arith.constant 0 : i32
      %dma_start3A_272 = tpu.memref_slice %arg13[%dma_start3A_270, %dma_start3A_271] : memref<10000x128xf32, #tpu.memory_space<vmem_shared>> -> memref<10000x128xf32, #tpu.memory_space<vmem_shared>>
      tpu.enqueue_indirect_dma source(%dma_start3A_266 : memref<64x128xf32, #tpu.memory_space<vmem>>) target(%dma_start3A_272 : memref<10000x128xf32, #tpu.memory_space<vmem_shared>>) offsets(%dma_start3A_269 : memref<64xi32, #tpu.memory_space<vmem>>) semaphore(%arg20 : memref<!tpu.dma_semaphore, #tpu.memory_space<semaphore_mem>>) {add = true}
      %dma_wait3A_273 = arith.constant 3 : i32
      %dma_wait3A_274 = arith.constant 3 : i32
      %dma_wait3A_275 = arith.constant 0 : i32
      %dma_wait3A_276 = arith.constant 0 : i32
      %dma_wait3A_277 = tpu.memref_slice %arg12[%dma_wait3A_274, %dma_wait3A_275, %dma_wait3A_276] : memref<4x64x128xf32, #tpu.memory_space<vmem>> -> memref<1x64x128xf32, #tpu.memory_space<vmem>>
      %dma_wait3A_278 = tpu.memref_squeeze %dma_wait3A_277 : memref<1x64x128xf32, #tpu.memory_space<vmem>> -> memref<64x128xf32, #tpu.memory_space<vmem>>
      %dma_wait3A_279 = arith.constant 0 : i32
      %dma_wait3A_280 = tpu.memref_slice %arg11[%dma_wait3A_273, %dma_wait3A_279] : memref<4x64xi32, #tpu.memory_space<vmem>> -> memref<1x64xi32, #tpu.memory_space<vmem>>
      %dma_wait3A_281 = tpu.memref_squeeze %dma_wait3A_280 : memref<1x64xi32, #tpu.memory_space<vmem>> -> memref<64xi32, #tpu.memory_space<vmem>>
      %dma_wait3A_282 = arith.constant 0 : i32
      %dma_wait3A_283 = arith.constant 0 : i32
      %dma_wait3A_284 = tpu.memref_slice %arg2[%dma_wait3A_282, %dma_wait3A_283] : memref<50000x128xf32, #tpu.memory_space<hbm>> -> memref<50000x128xf32, #tpu.memory_space<hbm>>
      tpu.wait_indirect_dma semaphore(%arg17 : memref<!tpu.dma_semaphore, #tpu.memory_space<semaphore_mem>>) src(%dma_wait3A_284 : memref<50000x128xf32, #tpu.memory_space<hbm>>) dst(%dma_wait3A_278 : memref<64x128xf32, #tpu.memory_space<vmem>>)
      %add3A_285 = arith.constant 3 : i32
      %add3A_286 = arith.addi %mul3A_96, %add3A_285 : i32
      %dma_start3A_287 = arith.constant 3 : i32
      %dma_start3A_288 = arith.constant 0 : i32
      %dma_start3A_289 = arith.constant 0 : i32
      %dma_start3A_290 = tpu.memref_slice %arg12[%dma_start3A_287, %dma_start3A_288, %dma_start3A_289] : memref<4x64x128xf32, #tpu.memory_space<vmem>> -> memref<1x64x128xf32, #tpu.memory_space<vmem>>
      %dma_start3A_291 = tpu.memref_squeeze %dma_start3A_290 : memref<1x64x128xf32, #tpu.memory_space<vmem>> -> memref<64x128xf32, #tpu.memory_space<vmem>>
      %dma_start3A_292 = arith.constant 0 : i32
      %dma_start3A_293 = tpu.memref_slice %arg8[%add3A_286, %dma_start3A_292] : memref<8x64xi32, #tpu.memory_space<vmem>> -> memref<1x64xi32, #tpu.memory_space<vmem>>
      %dma_start3A_294 = tpu.memref_squeeze %dma_start3A_293 : memref<1x64xi32, #tpu.memory_space<vmem>> -> memref<64xi32, #tpu.memory_space<vmem>>
      %dma_start3A_295 = arith.constant 0 : i32
      %dma_start3A_296 = arith.constant 0 : i32
      %dma_start3A_297 = tpu.memref_slice %arg13[%dma_start3A_295, %dma_start3A_296] : memref<10000x128xf32, #tpu.memory_space<vmem_shared>> -> memref<10000x128xf32, #tpu.memory_space<vmem_shared>>
      tpu.enqueue_indirect_dma source(%dma_start3A_291 : memref<64x128xf32, #tpu.memory_space<vmem>>) target(%dma_start3A_297 : memref<10000x128xf32, #tpu.memory_space<vmem_shared>>) offsets(%dma_start3A_294 : memref<64xi32, #tpu.memory_space<vmem>>) semaphore(%arg21 : memref<!tpu.dma_semaphore, #tpu.memory_space<semaphore_mem>>) {add = true}
    }
    %while3A_30 = arith.constant 1 : i32
    scf.for %while3A_88 = %while3A_28 to %while3A_24 step %while3A_30  : i32 {
      %mul3A_89 = arith.muli %while3A_88, %while3A : i32
      %add3A_90 = arith.addi %add3A, %mul3A_89 : i32
      %sub3A_91 = arith.subi %add3A_90, %add3A : i32
      %div3A_92 = arith.constant 32 : i32
      %div3A_93 = arith.divsi %sub3A_91, %div3A_92 : i32
      %rem3A = arith.constant 2 : i32
      %rem3A_94 = arith.remsi %div3A_93, %rem3A : i32
      %mul3A_95 = arith.constant 4 : i32
      %mul3A_96 = arith.muli %rem3A_94, %mul3A_95 : i32
      %eq3A_97 = arith.cmpi eq, %add3A_90, %add3A : i32
      %add3A_98 = arith.constant 32 : i32
      %add3A_99 = arith.addi %add3A_90, %add3A_98 : i32
      %not3A = arith.constant true
      %not3A_100 = arith.xori %eq3A_97, %not3A : i1
      %convert_element_type3A_101 = arith.extui %not3A_100 : i1 to i32
      %cond3A_102 = arith.constant 0 : i32
      %cond3A_103 = arith.cmpi ne, %convert_element_type3A_101, %cond3A_102 : i32
      scf.if %cond3A_103 {
        %mul3A_298 = arith.constant 256 : i32
        %mul3A_299 = arith.muli %add3A_90, %mul3A_298 : i32
        %dma_wait3A_300 = arith.constant 0 : i32
        %dma_wait3A_301 = tpu.memref_slice %arg3[%dma_wait3A_300, %mul3A_299] : memref<2x320000xi32, #tpu.memory_space<hbm>> -> memref<1x256xi32, #tpu.memory_space<hbm>>
        %dma_wait3A_302 = tpu.memref_squeeze %dma_wait3A_301 : memref<1x256xi32, #tpu.memory_space<hbm>> -> memref<256xi32, #tpu.memory_space<hbm>>
        %dma_wait3A_303 = tpu.memref_slice %arg3[%dma_wait3A_300, %mul3A_299] : memref<2x320000xi32, #tpu.memory_space<hbm>> -> memref<1x256xi32, #tpu.memory_space<hbm>>
        %dma_wait3A_304 = tpu.memref_squeeze %dma_wait3A_303 : memref<1x256xi32, #tpu.memory_space<hbm>> -> memref<256xi32, #tpu.memory_space<hbm>>
        tpu.wait_dma2 semaphore(%arg22 : memref<!tpu.dma_semaphore, #tpu.memory_space<semaphore_mem>>) src(%dma_wait3A_304 : memref<256xi32, #tpu.memory_space<hbm>>) dst(%arg7 : memref<256xi32, #tpu.memory_space<vmem>>)
        %mul3A_305 = arith.constant 256 : i32
        %mul3A_306 = arith.muli %add3A_90, %mul3A_305 : i32
        %dma_wait3A_307 = tpu.memref_slice %arg4[%mul3A_306] : memref<320000xi32, #tpu.memory_space<hbm>> -> memref<256xi32, #tpu.memory_space<hbm>>
        %dma_wait3A_308 = tpu.memref_slice %arg4[%mul3A_306] : memref<320000xi32, #tpu.memory_space<hbm>> -> memref<256xi32, #tpu.memory_space<hbm>>
        tpu.wait_dma2 semaphore(%arg24 : memref<!tpu.dma_semaphore, #tpu.memory_space<semaphore_mem>>) src(%dma_wait3A_308 : memref<256xi32, #tpu.memory_space<hbm>>) dst(%arg9 : memref<256xi32, #tpu.memory_space<vmem>>)
        %mul3A_309 = arith.constant 256 : i32
        %mul3A_310 = arith.muli %add3A_90, %mul3A_309 : i32
        %dma_wait3A_311 = arith.constant 1 : i32
        %dma_wait3A_312 = tpu.memref_slice %arg3[%dma_wait3A_311, %mul3A_310] : memref<2x320000xi32, #tpu.memory_space<hbm>> -> memref<1x256xi32, #tpu.memory_space<hbm>>
        %dma_wait3A_313 = tpu.memref_squeeze %dma_wait3A_312 : memref<1x256xi32, #tpu.memory_space<hbm>> -> memref<256xi32, #tpu.memory_space<hbm>>
        %dma_wait3A_314 = tpu.memref_slice %arg3[%dma_wait3A_311, %mul3A_310] : memref<2x320000xi32, #tpu.memory_space<hbm>> -> memref<1x256xi32, #tpu.memory_space<hbm>>
        %dma_wait3A_315 = tpu.memref_squeeze %dma_wait3A_314 : memref<1x256xi32, #tpu.memory_space<hbm>> -> memref<256xi32, #tpu.memory_space<hbm>>
        tpu.wait_dma2 semaphore(%arg23 : memref<!tpu.dma_semaphore, #tpu.memory_space<semaphore_mem>>) src(%dma_wait3A_315 : memref<256xi32, #tpu.memory_space<hbm>>) dst(%arg10 : memref<256xi32, #tpu.memory_space<vmem>>)
      } else {
      }
      %scan3A = arith.constant 0 : i32
      %scan3A_104 = arith.constant 4 : i32
      %scan3A_105 = arith.addi %scan3A, %scan3A_104 : i32
      %scan3A_106 = arith.constant 1 : i32
      scf.for %scan3A_298 = %scan3A to %scan3A_105 step %scan3A_106  : i32 {
        %mul3A_299 = arith.constant 16 : i32
        %mul3A_300 = arith.muli %scan3A_298, %mul3A_299 : i32
        %add3A_301 = arith.constant 0 : i32
        %add3A_302 = arith.addi %add3A_301, %mul3A_300 : i32
        %add3A_303 = arith.constant 0 : i32
        %add3A_304 = arith.addi %add3A_303, %add3A_302 : i32
        %get3A = arith.index_cast %add3A_304 : i32 to index
        %get3A_305 = tpu.vector_load %arg9[%get3A] {strides = array<i32>} : memref<256xi32, #tpu.memory_space<vmem>>, vector<16xi32>,
        %get3A_306 = vector.shape_cast %get3A_305 : vector<16xi32> to vector<16xi32>
        %mul3A_307 = arith.constant 10000 : i32
        %mul3A_308 = vector.broadcast %mul3A_307 : i32 to vector<16xi32>
        %mul3A_309 = arith.muli %get3A_306, %mul3A_308 : vector<16xi32>
        %get3A_310 = arith.index_cast %add3A_304 : i32 to index
        %get3A_311 = tpu.vector_load %arg7[%get3A_310] {strides = array<i32>} : memref<256xi32, #tpu.memory_space<vmem>>, vector<16xi32>,
        %get3A_312 = vector.shape_cast %get3A_311 : vector<16xi32> to vector<16xi32>
        %add3A_313 = arith.addi %mul3A_309, %get3A_312 : vector<16xi32>
        %swap3A = arith.constant 0 : i32
        %swap3A_314 = arith.index_cast %swap3A : i32 to index
        %swap3A_315 = arith.index_cast %add3A_302 : i32 to index
        %swap3A_316 = tpu.vector_load %arg11[%swap3A_314, %swap3A_315] {strides = array<i32>} : memref<4x64xi32, #tpu.memory_space<vmem>>, vector<1x16xi32>,
        %swap3A_317 = vector.shape_cast %swap3A_316 : vector<1x16xi32> to vector<16xi32>
        %swap3A_318 = vector.shape_cast %add3A_313 : vector<16xi32> to vector<1x16xi32>
        tpu.vector_store %arg11[%swap3A_314, %swap3A_315], %swap3A_318 {strides = array<i32>} : memref<4x64xi32, #tpu.memory_space<vmem>>, vector<1x16xi32>,
        %get3A_319 = arith.index_cast %add3A_304 : i32 to index
        %get3A_320 = tpu.vector_load %arg10[%get3A_319] {strides = array<i32>} : memref<256xi32, #tpu.memory_space<vmem>>, vector<16xi32>,
        %get3A_321 = vector.shape_cast %get3A_320 : vector<16xi32> to vector<16xi32>
        %add3A_322 = arith.constant 0 : i32
        %add3A_323 = arith.addi %mul3A_96, %add3A_322 : i32
        %swap3A_324 = arith.index_cast %add3A_323 : i32 to index
        %swap3A_325 = arith.index_cast %add3A_302 : i32 to index
        %swap3A_326 = tpu.vector_load %arg8[%swap3A_324, %swap3A_325] {strides = array<i32>} : memref<8x64xi32, #tpu.memory_space<vmem>>, vector<1x16xi32>,
        %swap3A_327 = vector.shape_cast %swap3A_326 : vector<1x16xi32> to vector<16xi32>
        %swap3A_328 = vector.shape_cast %get3A_321 : vector<16xi32> to vector<1x16xi32>
        tpu.vector_store %arg8[%swap3A_324, %swap3A_325], %swap3A_328 {strides = array<i32>} : memref<8x64xi32, #tpu.memory_space<vmem>>, vector<1x16xi32>,
      }
      %scan3A_107 = arith.constant 4 : i32
      %scan3A_108 = arith.constant 0 : i32
      %scan3A_109 = arith.constant 4 : i32
      %scan3A_110 = arith.addi %scan3A_108, %scan3A_109 : i32
      %scan3A_111 = arith.constant 1 : i32
      scf.for %scan3A_298 = %scan3A_108 to %scan3A_110 step %scan3A_111  : i32 {
        %mul3A_299 = arith.constant 16 : i32
        %mul3A_300 = arith.muli %scan3A_298, %mul3A_299 : i32
        %add3A_301 = arith.constant 0 : i32
        %add3A_302 = arith.addi %add3A_301, %mul3A_300 : i32
        %add3A_303 = arith.constant 64 : i32
        %add3A_304 = arith.addi %add3A_303, %add3A_302 : i32
        %get3A = arith.index_cast %add3A_304 : i32 to index
        %get3A_305 = tpu.vector_load %arg9[%get3A] {strides = array<i32>} : memref<256xi32, #tpu.memory_space<vmem>>, vector<16xi32>,
        %get3A_306 = vector.shape_cast %get3A_305 : vector<16xi32> to vector<16xi32>
        %mul3A_307 = arith.constant 10000 : i32
        %mul3A_308 = vector.broadcast %mul3A_307 : i32 to vector<16xi32>
        %mul3A_309 = arith.muli %get3A_306, %mul3A_308 : vector<16xi32>
        %get3A_310 = arith.index_cast %add3A_304 : i32 to index
        %get3A_311 = tpu.vector_load %arg7[%get3A_310] {strides = array<i32>} : memref<256xi32, #tpu.memory_space<vmem>>, vector<16xi32>,
        %get3A_312 = vector.shape_cast %get3A_311 : vector<16xi32> to vector<16xi32>
        %add3A_313 = arith.addi %mul3A_309, %get3A_312 : vector<16xi32>
        %swap3A = arith.constant 1 : i32
        %swap3A_314 = arith.index_cast %swap3A : i32 to index
        %swap3A_315 = arith.index_cast %add3A_302 : i32 to index
        %swap3A_316 = tpu.vector_load %arg11[%swap3A_314, %swap3A_315] {strides = array<i32>} : memref<4x64xi32, #tpu.memory_space<vmem>>, vector<1x16xi32>,
        %swap3A_317 = vector.shape_cast %swap3A_316 : vector<1x16xi32> to vector<16xi32>
        %swap3A_318 = vector.shape_cast %add3A_313 : vector<16xi32> to vector<1x16xi32>
        tpu.vector_store %arg11[%swap3A_314, %swap3A_315], %swap3A_318 {strides = array<i32>} : memref<4x64xi32, #tpu.memory_space<vmem>>, vector<1x16xi32>,
        %get3A_319 = arith.index_cast %add3A_304 : i32 to index
        %get3A_320 = tpu.vector_load %arg10[%get3A_319] {strides = array<i32>} : memref<256xi32, #tpu.memory_space<vmem>>, vector<16xi32>,
        %get3A_321 = vector.shape_cast %get3A_320 : vector<16xi32> to vector<16xi32>
        %add3A_322 = arith.constant 1 : i32
        %add3A_323 = arith.addi %mul3A_96, %add3A_322 : i32
        %swap3A_324 = arith.index_cast %add3A_323 : i32 to index
        %swap3A_325 = arith.index_cast %add3A_302 : i32 to index
        %swap3A_326 = tpu.vector_load %arg8[%swap3A_324, %swap3A_325] {strides = array<i32>} : memref<8x64xi32, #tpu.memory_space<vmem>>, vector<1x16xi32>,
        %swap3A_327 = vector.shape_cast %swap3A_326 : vector<1x16xi32> to vector<16xi32>
        %swap3A_328 = vector.shape_cast %get3A_321 : vector<16xi32> to vector<1x16xi32>
        tpu.vector_store %arg8[%swap3A_324, %swap3A_325], %swap3A_328 {strides = array<i32>} : memref<8x64xi32, #tpu.memory_space<vmem>>, vector<1x16xi32>,
      }
      %scan3A_112 = arith.constant 4 : i32
      %scan3A_113 = arith.constant 0 : i32
      %scan3A_114 = arith.constant 4 : i32
      %scan3A_115 = arith.addi %scan3A_113, %scan3A_114 : i32
      %scan3A_116 = arith.constant 1 : i32
      scf.for %scan3A_298 = %scan3A_113 to %scan3A_115 step %scan3A_116  : i32 {
        %mul3A_299 = arith.constant 16 : i32
        %mul3A_300 = arith.muli %scan3A_298, %mul3A_299 : i32
        %add3A_301 = arith.constant 0 : i32
        %add3A_302 = arith.addi %add3A_301, %mul3A_300 : i32
        %add3A_303 = arith.constant 128 : i32
        %add3A_304 = arith.addi %add3A_303, %add3A_302 : i32
        %get3A = arith.index_cast %add3A_304 : i32 to index
        %get3A_305 = tpu.vector_load %arg9[%get3A] {strides = array<i32>} : memref<256xi32, #tpu.memory_space<vmem>>, vector<16xi32>,
        %get3A_306 = vector.shape_cast %get3A_305 : vector<16xi32> to vector<16xi32>
        %mul3A_307 = arith.constant 10000 : i32
        %mul3A_308 = vector.broadcast %mul3A_307 : i32 to vector<16xi32>
        %mul3A_309 = arith.muli %get3A_306, %mul3A_308 : vector<16xi32>
        %get3A_310 = arith.index_cast %add3A_304 : i32 to index
        %get3A_311 = tpu.vector_load %arg7[%get3A_310] {strides = array<i32>} : memref<256xi32, #tpu.memory_space<vmem>>, vector<16xi32>,
        %get3A_312 = vector.shape_cast %get3A_311 : vector<16xi32> to vector<16xi32>
        %add3A_313 = arith.addi %mul3A_309, %get3A_312 : vector<16xi32>
        %swap3A = arith.constant 2 : i32
        %swap3A_314 = arith.index_cast %swap3A : i32 to index
        %swap3A_315 = arith.index_cast %add3A_302 : i32 to index
        %swap3A_316 = tpu.vector_load %arg11[%swap3A_314, %swap3A_315] {strides = array<i32>} : memref<4x64xi32, #tpu.memory_space<vmem>>, vector<1x16xi32>,
        %swap3A_317 = vector.shape_cast %swap3A_316 : vector<1x16xi32> to vector<16xi32>
        %swap3A_318 = vector.shape_cast %add3A_313 : vector<16xi32> to vector<1x16xi32>
        tpu.vector_store %arg11[%swap3A_314, %swap3A_315], %swap3A_318 {strides = array<i32>} : memref<4x64xi32, #tpu.memory_space<vmem>>, vector<1x16xi32>,
        %get3A_319 = arith.index_cast %add3A_304 : i32 to index
        %get3A_320 = tpu.vector_load %arg10[%get3A_319] {strides = array<i32>} : memref<256xi32, #tpu.memory_space<vmem>>, vector<16xi32>,
        %get3A_321 = vector.shape_cast %get3A_320 : vector<16xi32> to vector<16xi32>
        %add3A_322 = arith.constant 2 : i32
        %add3A_323 = arith.addi %mul3A_96, %add3A_322 : i32
        %swap3A_324 = arith.index_cast %add3A_323 : i32 to index
        %swap3A_325 = arith.index_cast %add3A_302 : i32 to index
        %swap3A_326 = tpu.vector_load %arg8[%swap3A_324, %swap3A_325] {strides = array<i32>} : memref<8x64xi32, #tpu.memory_space<vmem>>, vector<1x16xi32>,
        %swap3A_327 = vector.shape_cast %swap3A_326 : vector<1x16xi32> to vector<16xi32>
        %swap3A_328 = vector.shape_cast %get3A_321 : vector<16xi32> to vector<1x16xi32>
        tpu.vector_store %arg8[%swap3A_324, %swap3A_325], %swap3A_328 {strides = array<i32>} : memref<8x64xi32, #tpu.memory_space<vmem>>, vector<1x16xi32>,
      }
      %scan3A_117 = arith.constant 4 : i32
      %scan3A_118 = arith.constant 0 : i32
      %scan3A_119 = arith.constant 4 : i32
      %scan3A_120 = arith.addi %scan3A_118, %scan3A_119 : i32
      %scan3A_121 = arith.constant 1 : i32
      scf.for %scan3A_298 = %scan3A_118 to %scan3A_120 step %scan3A_121  : i32 {
        %mul3A_299 = arith.constant 16 : i32
        %mul3A_300 = arith.muli %scan3A_298, %mul3A_299 : i32
        %add3A_301 = arith.constant 0 : i32
        %add3A_302 = arith.addi %add3A_301, %mul3A_300 : i32
        %add3A_303 = arith.constant 192 : i32
        %add3A_304 = arith.addi %add3A_303, %add3A_302 : i32
        %get3A = arith.index_cast %add3A_304 : i32 to index
        %get3A_305 = tpu.vector_load %arg9[%get3A] {strides = array<i32>} : memref<256xi32, #tpu.memory_space<vmem>>, vector<16xi32>,
        %get3A_306 = vector.shape_cast %get3A_305 : vector<16xi32> to vector<16xi32>
        %mul3A_307 = arith.constant 10000 : i32
        %mul3A_308 = vector.broadcast %mul3A_307 : i32 to vector<16xi32>
        %mul3A_309 = arith.muli %get3A_306, %mul3A_308 : vector<16xi32>
        %get3A_310 = arith.index_cast %add3A_304 : i32 to index
        %get3A_311 = tpu.vector_load %arg7[%get3A_310] {strides = array<i32>} : memref<256xi32, #tpu.memory_space<vmem>>, vector<16xi32>,
        %get3A_312 = vector.shape_cast %get3A_311 : vector<16xi32> to vector<16xi32>
        %add3A_313 = arith.addi %mul3A_309, %get3A_312 : vector<16xi32>
        %swap3A = arith.constant 3 : i32
        %swap3A_314 = arith.index_cast %swap3A : i32 to index
        %swap3A_315 = arith.index_cast %add3A_302 : i32 to index
        %swap3A_316 = tpu.vector_load %arg11[%swap3A_314, %swap3A_315] {strides = array<i32>} : memref<4x64xi32, #tpu.memory_space<vmem>>, vector<1x16xi32>,
        %swap3A_317 = vector.shape_cast %swap3A_316 : vector<1x16xi32> to vector<16xi32>
        %swap3A_318 = vector.shape_cast %add3A_313 : vector<16xi32> to vector<1x16xi32>
        tpu.vector_store %arg11[%swap3A_314, %swap3A_315], %swap3A_318 {strides = array<i32>} : memref<4x64xi32, #tpu.memory_space<vmem>>, vector<1x16xi32>,
        %get3A_319 = arith.index_cast %add3A_304 : i32 to index
        %get3A_320 = tpu.vector_load %arg10[%get3A_319] {strides = array<i32>} : memref<256xi32, #tpu.memory_space<vmem>>, vector<16xi32>,
        %get3A_321 = vector.shape_cast %get3A_320 : vector<16xi32> to vector<16xi32>
        %add3A_322 = arith.constant 3 : i32
        %add3A_323 = arith.addi %mul3A_96, %add3A_322 : i32
        %swap3A_324 = arith.index_cast %add3A_323 : i32 to index
        %swap3A_325 = arith.index_cast %add3A_302 : i32 to index
        %swap3A_326 = tpu.vector_load %arg8[%swap3A_324, %swap3A_325] {strides = array<i32>} : memref<8x64xi32, #tpu.memory_space<vmem>>, vector<1x16xi32>,
        %swap3A_327 = vector.shape_cast %swap3A_326 : vector<1x16xi32> to vector<16xi32>
        %swap3A_328 = vector.shape_cast %get3A_321 : vector<16xi32> to vector<1x16xi32>
        tpu.vector_store %arg8[%swap3A_324, %swap3A_325], %swap3A_328 {strides = array<i32>} : memref<8x64xi32, #tpu.memory_space<vmem>>, vector<1x16xi32>,
      }
      %scan3A_122 = arith.constant 4 : i32
      %not3A_123 = arith.constant true
      %not3A_124 = arith.xori %eq3A_97, %not3A_123 : i1
      %convert_element_type3A_125 = arith.extui %not3A_124 : i1 to i32
      %cond3A_126 = arith.constant 0 : i32
      %cond3A_127 = arith.cmpi ne, %convert_element_type3A_125, %cond3A_126 : i32
      scf.if %cond3A_127 {
        %dma_wait3A_298 = arith.constant 0 : i32
        %dma_wait3A_299 = arith.constant 0 : i32
        %dma_wait3A_300 = arith.constant 0 : i32
        %dma_wait3A_301 = arith.constant 0 : i32
        %dma_wait3A_302 = tpu.memref_slice %arg12[%dma_wait3A_298, %dma_wait3A_300, %dma_wait3A_301] : memref<4x64x128xf32, #tpu.memory_space<vmem>> -> memref<1x64x128xf32, #tpu.memory_space<vmem>>
        %dma_wait3A_303 = tpu.memref_squeeze %dma_wait3A_302 : memref<1x64x128xf32, #tpu.memory_space<vmem>> -> memref<64x128xf32, #tpu.memory_space<vmem>>
        %dma_wait3A_304 = arith.constant 0 : i32
        %dma_wait3A_305 = tpu.memref_slice %arg8[%dma_wait3A_299, %dma_wait3A_304] : memref<8x64xi32, #tpu.memory_space<vmem>> -> memref<1x64xi32, #tpu.memory_space<vmem>>
        %dma_wait3A_306 = tpu.memref_squeeze %dma_wait3A_305 : memref<1x64xi32, #tpu.memory_space<vmem>> -> memref<64xi32, #tpu.memory_space<vmem>>
        %dma_wait3A_307 = arith.constant 0 : i32
        %dma_wait3A_308 = arith.constant 0 : i32
        %dma_wait3A_309 = tpu.memref_slice %arg13[%dma_wait3A_307, %dma_wait3A_308] : memref<10000x128xf32, #tpu.memory_space<vmem_shared>> -> memref<10000x128xf32, #tpu.memory_space<vmem_shared>>
        tpu.wait_indirect_dma semaphore(%arg18 : memref<!tpu.dma_semaphore, #tpu.memory_space<semaphore_mem>>) src(%dma_wait3A_303 : memref<64x128xf32, #tpu.memory_space<vmem>>) dst(%dma_wait3A_309 : memref<10000x128xf32, #tpu.memory_space<vmem_shared>>)
      } else {
      }
      %dma_start3A = arith.constant 0 : i32
      %dma_start3A_128 = arith.constant 0 : i32
      %dma_start3A_129 = arith.constant 0 : i32
      %dma_start3A_130 = arith.constant 0 : i32
      %dma_start3A_131 = tpu.memref_slice %arg12[%dma_start3A_128, %dma_start3A_129, %dma_start3A_130] : memref<4x64x128xf32, #tpu.memory_space<vmem>> -> memref<1x64x128xf32, #tpu.memory_space<vmem>>
      %dma_start3A_132 = tpu.memref_squeeze %dma_start3A_131 : memref<1x64x128xf32, #tpu.memory_space<vmem>> -> memref<64x128xf32, #tpu.memory_space<vmem>>
      %dma_start3A_133 = arith.constant 0 : i32
      %dma_start3A_134 = tpu.memref_slice %arg11[%dma_start3A, %dma_start3A_133] : memref<4x64xi32, #tpu.memory_space<vmem>> -> memref<1x64xi32, #tpu.memory_space<vmem>>
      %dma_start3A_135 = tpu.memref_squeeze %dma_start3A_134 : memref<1x64xi32, #tpu.memory_space<vmem>> -> memref<64xi32, #tpu.memory_space<vmem>>
      %dma_start3A_136 = arith.constant 0 : i32
      %dma_start3A_137 = arith.constant 0 : i32
      %dma_start3A_138 = tpu.memref_slice %arg2[%dma_start3A_136, %dma_start3A_137] : memref<50000x128xf32, #tpu.memory_space<hbm>> -> memref<50000x128xf32, #tpu.memory_space<hbm>>
      tpu.enqueue_indirect_dma source(%dma_start3A_138 : memref<50000x128xf32, #tpu.memory_space<hbm>>) target(%dma_start3A_132 : memref<64x128xf32, #tpu.memory_space<vmem>>) offsets(%dma_start3A_135 : memref<64xi32, #tpu.memory_space<vmem>>) semaphore(%arg14 : memref<!tpu.dma_semaphore, #tpu.memory_space<semaphore_mem>>)
      %not3A_139 = arith.constant true
      %not3A_140 = arith.xori %eq3A_97, %not3A_139 : i1
      %convert_element_type3A_141 = arith.extui %not3A_140 : i1 to i32
      %cond3A_142 = arith.constant 0 : i32
      %cond3A_143 = arith.cmpi ne, %convert_element_type3A_141, %cond3A_142 : i32
      scf.if %cond3A_143 {
        %dma_wait3A_298 = arith.constant 1 : i32
        %dma_wait3A_299 = arith.constant 1 : i32
        %dma_wait3A_300 = arith.constant 0 : i32
        %dma_wait3A_301 = arith.constant 0 : i32
        %dma_wait3A_302 = tpu.memref_slice %arg12[%dma_wait3A_298, %dma_wait3A_300, %dma_wait3A_301] : memref<4x64x128xf32, #tpu.memory_space<vmem>> -> memref<1x64x128xf32, #tpu.memory_space<vmem>>
        %dma_wait3A_303 = tpu.memref_squeeze %dma_wait3A_302 : memref<1x64x128xf32, #tpu.memory_space<vmem>> -> memref<64x128xf32, #tpu.memory_space<vmem>>
        %dma_wait3A_304 = arith.constant 0 : i32
        %dma_wait3A_305 = tpu.memref_slice %arg8[%dma_wait3A_299, %dma_wait3A_304] : memref<8x64xi32, #tpu.memory_space<vmem>> -> memref<1x64xi32, #tpu.memory_space<vmem>>
        %dma_wait3A_306 = tpu.memref_squeeze %dma_wait3A_305 : memref<1x64xi32, #tpu.memory_space<vmem>> -> memref<64xi32, #tpu.memory_space<vmem>>
        %dma_wait3A_307 = arith.constant 0 : i32
        %dma_wait3A_308 = arith.constant 0 : i32
        %dma_wait3A_309 = tpu.memref_slice %arg13[%dma_wait3A_307, %dma_wait3A_308] : memref<10000x128xf32, #tpu.memory_space<vmem_shared>> -> memref<10000x128xf32, #tpu.memory_space<vmem_shared>>
        tpu.wait_indirect_dma semaphore(%arg19 : memref<!tpu.dma_semaphore, #tpu.memory_space<semaphore_mem>>) src(%dma_wait3A_303 : memref<64x128xf32, #tpu.memory_space<vmem>>) dst(%dma_wait3A_309 : memref<10000x128xf32, #tpu.memory_space<vmem_shared>>)
      } else {
      }
      %dma_start3A_144 = arith.constant 1 : i32
      %dma_start3A_145 = arith.constant 1 : i32
      %dma_start3A_146 = arith.constant 0 : i32
      %dma_start3A_147 = arith.constant 0 : i32
      %dma_start3A_148 = tpu.memref_slice %arg12[%dma_start3A_145, %dma_start3A_146, %dma_start3A_147] : memref<4x64x128xf32, #tpu.memory_space<vmem>> -> memref<1x64x128xf32, #tpu.memory_space<vmem>>
      %dma_start3A_149 = tpu.memref_squeeze %dma_start3A_148 : memref<1x64x128xf32, #tpu.memory_space<vmem>> -> memref<64x128xf32, #tpu.memory_space<vmem>>
      %dma_start3A_150 = arith.constant 0 : i32
      %dma_start3A_151 = tpu.memref_slice %arg11[%dma_start3A_144, %dma_start3A_150] : memref<4x64xi32, #tpu.memory_space<vmem>> -> memref<1x64xi32, #tpu.memory_space<vmem>>
      %dma_start3A_152 = tpu.memref_squeeze %dma_start3A_151 : memref<1x64xi32, #tpu.memory_space<vmem>> -> memref<64xi32, #tpu.memory_space<vmem>>
      %dma_start3A_153 = arith.constant 0 : i32
      %dma_start3A_154 = arith.constant 0 : i32
      %dma_start3A_155 = tpu.memref_slice %arg2[%dma_start3A_153, %dma_start3A_154] : memref<50000x128xf32, #tpu.memory_space<hbm>> -> memref<50000x128xf32, #tpu.memory_space<hbm>>
      tpu.enqueue_indirect_dma source(%dma_start3A_155 : memref<50000x128xf32, #tpu.memory_space<hbm>>) target(%dma_start3A_149 : memref<64x128xf32, #tpu.memory_space<vmem>>) offsets(%dma_start3A_152 : memref<64xi32, #tpu.memory_space<vmem>>) semaphore(%arg15 : memref<!tpu.dma_semaphore, #tpu.memory_space<semaphore_mem>>)
      %not3A_156 = arith.constant true
      %not3A_157 = arith.xori %eq3A_97, %not3A_156 : i1
      %convert_element_type3A_158 = arith.extui %not3A_157 : i1 to i32
      %cond3A_159 = arith.constant 0 : i32
      %cond3A_160 = arith.cmpi ne, %convert_element_type3A_158, %cond3A_159 : i32
      scf.if %cond3A_160 {
        %dma_wait3A_298 = arith.constant 2 : i32
        %dma_wait3A_299 = arith.constant 2 : i32
        %dma_wait3A_300 = arith.constant 0 : i32
        %dma_wait3A_301 = arith.constant 0 : i32
        %dma_wait3A_302 = tpu.memref_slice %arg12[%dma_wait3A_298, %dma_wait3A_300, %dma_wait3A_301] : memref<4x64x128xf32, #tpu.memory_space<vmem>> -> memref<1x64x128xf32, #tpu.memory_space<vmem>>
        %dma_wait3A_303 = tpu.memref_squeeze %dma_wait3A_302 : memref<1x64x128xf32, #tpu.memory_space<vmem>> -> memref<64x128xf32, #tpu.memory_space<vmem>>
        %dma_wait3A_304 = arith.constant 0 : i32
        %dma_wait3A_305 = tpu.memref_slice %arg8[%dma_wait3A_299, %dma_wait3A_304] : memref<8x64xi32, #tpu.memory_space<vmem>> -> memref<1x64xi32, #tpu.memory_space<vmem>>
        %dma_wait3A_306 = tpu.memref_squeeze %dma_wait3A_305 : memref<1x64xi32, #tpu.memory_space<vmem>> -> memref<64xi32, #tpu.memory_space<vmem>>
        %dma_wait3A_307 = arith.constant 0 : i32
        %dma_wait3A_308 = arith.constant 0 : i32
        %dma_wait3A_309 = tpu.memref_slice %arg13[%dma_wait3A_307, %dma_wait3A_308] : memref<10000x128xf32, #tpu.memory_space<vmem_shared>> -> memref<10000x128xf32, #tpu.memory_space<vmem_shared>>
        tpu.wait_indirect_dma semaphore(%arg20 : memref<!tpu.dma_semaphore, #tpu.memory_space<semaphore_mem>>) src(%dma_wait3A_303 : memref<64x128xf32, #tpu.memory_space<vmem>>) dst(%dma_wait3A_309 : memref<10000x128xf32, #tpu.memory_space<vmem_shared>>)
      } else {
      }
      %dma_start3A_161 = arith.constant 2 : i32
      %dma_start3A_162 = arith.constant 2 : i32
      %dma_start3A_163 = arith.constant 0 : i32
      %dma_start3A_164 = arith.constant 0 : i32
      %dma_start3A_165 = tpu.memref_slice %arg12[%dma_start3A_162, %dma_start3A_163, %dma_start3A_164] : memref<4x64x128xf32, #tpu.memory_space<vmem>> -> memref<1x64x128xf32, #tpu.memory_space<vmem>>
      %dma_start3A_166 = tpu.memref_squeeze %dma_start3A_165 : memref<1x64x128xf32, #tpu.memory_space<vmem>> -> memref<64x128xf32, #tpu.memory_space<vmem>>
      %dma_start3A_167 = arith.constant 0 : i32
      %dma_start3A_168 = tpu.memref_slice %arg11[%dma_start3A_161, %dma_start3A_167] : memref<4x64xi32, #tpu.memory_space<vmem>> -> memref<1x64xi32, #tpu.memory_space<vmem>>
      %dma_start3A_169 = tpu.memref_squeeze %dma_start3A_168 : memref<1x64xi32, #tpu.memory_space<vmem>> -> memref<64xi32, #tpu.memory_space<vmem>>
      %dma_start3A_170 = arith.constant 0 : i32
      %dma_start3A_171 = arith.constant 0 : i32
      %dma_start3A_172 = tpu.memref_slice %arg2[%dma_start3A_170, %dma_start3A_171] : memref<50000x128xf32, #tpu.memory_space<hbm>> -> memref<50000x128xf32, #tpu.memory_space<hbm>>
      tpu.enqueue_indirect_dma source(%dma_start3A_172 : memref<50000x128xf32, #tpu.memory_space<hbm>>) target(%dma_start3A_166 : memref<64x128xf32, #tpu.memory_space<vmem>>) offsets(%dma_start3A_169 : memref<64xi32, #tpu.memory_space<vmem>>) semaphore(%arg16 : memref<!tpu.dma_semaphore, #tpu.memory_space<semaphore_mem>>)
      %not3A_173 = arith.constant true
      %not3A_174 = arith.xori %eq3A_97, %not3A_173 : i1
      %convert_element_type3A_175 = arith.extui %not3A_174 : i1 to i32
      %cond3A_176 = arith.constant 0 : i32
      %cond3A_177 = arith.cmpi ne, %convert_element_type3A_175, %cond3A_176 : i32
      scf.if %cond3A_177 {
        %dma_wait3A_298 = arith.constant 3 : i32
        %dma_wait3A_299 = arith.constant 3 : i32
        %dma_wait3A_300 = arith.constant 0 : i32
        %dma_wait3A_301 = arith.constant 0 : i32
        %dma_wait3A_302 = tpu.memref_slice %arg12[%dma_wait3A_298, %dma_wait3A_300, %dma_wait3A_301] : memref<4x64x128xf32, #tpu.memory_space<vmem>> -> memref<1x64x128xf32, #tpu.memory_space<vmem>>
        %dma_wait3A_303 = tpu.memref_squeeze %dma_wait3A_302 : memref<1x64x128xf32, #tpu.memory_space<vmem>> -> memref<64x128xf32, #tpu.memory_space<vmem>>
        %dma_wait3A_304 = arith.constant 0 : i32
        %dma_wait3A_305 = tpu.memref_slice %arg8[%dma_wait3A_299, %dma_wait3A_304] : memref<8x64xi32, #tpu.memory_space<vmem>> -> memref<1x64xi32, #tpu.memory_space<vmem>>
        %dma_wait3A_306 = tpu.memref_squeeze %dma_wait3A_305 : memref<1x64xi32, #tpu.memory_space<vmem>> -> memref<64xi32, #tpu.memory_space<vmem>>
        %dma_wait3A_307 = arith.constant 0 : i32
        %dma_wait3A_308 = arith.constant 0 : i32
        %dma_wait3A_309 = tpu.memref_slice %arg13[%dma_wait3A_307, %dma_wait3A_308] : memref<10000x128xf32, #tpu.memory_space<vmem_shared>> -> memref<10000x128xf32, #tpu.memory_space<vmem_shared>>
        tpu.wait_indirect_dma semaphore(%arg21 : memref<!tpu.dma_semaphore, #tpu.memory_space<semaphore_mem>>) src(%dma_wait3A_303 : memref<64x128xf32, #tpu.memory_space<vmem>>) dst(%dma_wait3A_309 : memref<10000x128xf32, #tpu.memory_space<vmem_shared>>)
      } else {
      }
      %dma_start3A_178 = arith.constant 3 : i32
      %dma_start3A_179 = arith.constant 3 : i32
      %dma_start3A_180 = arith.constant 0 : i32
      %dma_start3A_181 = arith.constant 0 : i32
      %dma_start3A_182 = tpu.memref_slice %arg12[%dma_start3A_179, %dma_start3A_180, %dma_start3A_181] : memref<4x64x128xf32, #tpu.memory_space<vmem>> -> memref<1x64x128xf32, #tpu.memory_space<vmem>>
      %dma_start3A_183 = tpu.memref_squeeze %dma_start3A_182 : memref<1x64x128xf32, #tpu.memory_space<vmem>> -> memref<64x128xf32, #tpu.memory_space<vmem>>
      %dma_start3A_184 = arith.constant 0 : i32
      %dma_start3A_185 = tpu.memref_slice %arg11[%dma_start3A_178, %dma_start3A_184] : memref<4x64xi32, #tpu.memory_space<vmem>> -> memref<1x64xi32, #tpu.memory_space<vmem>>
      %dma_start3A_186 = tpu.memref_squeeze %dma_start3A_185 : memref<1x64xi32, #tpu.memory_space<vmem>> -> memref<64xi32, #tpu.memory_space<vmem>>
      %dma_start3A_187 = arith.constant 0 : i32
      %dma_start3A_188 = arith.constant 0 : i32
      %dma_start3A_189 = tpu.memref_slice %arg2[%dma_start3A_187, %dma_start3A_188] : memref<50000x128xf32, #tpu.memory_space<hbm>> -> memref<50000x128xf32, #tpu.memory_space<hbm>>
      tpu.enqueue_indirect_dma source(%dma_start3A_189 : memref<50000x128xf32, #tpu.memory_space<hbm>>) target(%dma_start3A_183 : memref<64x128xf32, #tpu.memory_space<vmem>>) offsets(%dma_start3A_186 : memref<64xi32, #tpu.memory_space<vmem>>) semaphore(%arg17 : memref<!tpu.dma_semaphore, #tpu.memory_space<semaphore_mem>>)
      %lt3A_190 = arith.constant 1250 : i32
      %lt3A_191 = arith.cmpi slt, %add3A_99, %lt3A_190 : i32
      %convert_element_type3A_192 = arith.extui %lt3A_191 : i1 to i32
      %cond3A_193 = arith.constant 0 : i32
      %cond3A_194 = arith.cmpi ne, %convert_element_type3A_192, %cond3A_193 : i32
      scf.if %cond3A_194 {
        %mul3A_298 = arith.constant 256 : i32
        %mul3A_299 = arith.muli %add3A_99, %mul3A_298 : i32
        %dma_start3A_300 = arith.constant 0 : i32
        %dma_start3A_301 = tpu.memref_slice %arg3[%dma_start3A_300, %mul3A_299] : memref<2x320000xi32, #tpu.memory_space<hbm>> -> memref<1x256xi32, #tpu.memory_space<hbm>>
        %dma_start3A_302 = tpu.memref_squeeze %dma_start3A_301 : memref<1x256xi32, #tpu.memory_space<hbm>> -> memref<256xi32, #tpu.memory_space<hbm>>
        %dma_start3A_303 = tpu.memref_slice %arg3[%dma_start3A_300, %mul3A_299] : memref<2x320000xi32, #tpu.memory_space<hbm>> -> memref<1x256xi32, #tpu.memory_space<hbm>>
        %dma_start3A_304 = tpu.memref_squeeze %dma_start3A_303 : memref<1x256xi32, #tpu.memory_space<hbm>> -> memref<256xi32, #tpu.memory_space<hbm>>
        tpu.enqueue_dma source(%dma_start3A_304 : memref<256xi32, #tpu.memory_space<hbm>>) target(%arg7 : memref<256xi32, #tpu.memory_space<vmem>>) target_semaphore(%arg22 : memref<!tpu.dma_semaphore, #tpu.memory_space<semaphore_mem>>)
        %mul3A_305 = arith.constant 256 : i32
        %mul3A_306 = arith.muli %add3A_99, %mul3A_305 : i32
        %dma_start3A_307 = tpu.memref_slice %arg4[%mul3A_306] : memref<320000xi32, #tpu.memory_space<hbm>> -> memref<256xi32, #tpu.memory_space<hbm>>
        %dma_start3A_308 = tpu.memref_slice %arg4[%mul3A_306] : memref<320000xi32, #tpu.memory_space<hbm>> -> memref<256xi32, #tpu.memory_space<hbm>>
        tpu.enqueue_dma source(%dma_start3A_308 : memref<256xi32, #tpu.memory_space<hbm>>) target(%arg9 : memref<256xi32, #tpu.memory_space<vmem>>) target_semaphore(%arg24 : memref<!tpu.dma_semaphore, #tpu.memory_space<semaphore_mem>>)
        %mul3A_309 = arith.constant 256 : i32
        %mul3A_310 = arith.muli %add3A_99, %mul3A_309 : i32
        %dma_start3A_311 = arith.constant 1 : i32
        %dma_start3A_312 = tpu.memref_slice %arg3[%dma_start3A_311, %mul3A_310] : memref<2x320000xi32, #tpu.memory_space<hbm>> -> memref<1x256xi32, #tpu.memory_space<hbm>>
        %dma_start3A_313 = tpu.memref_squeeze %dma_start3A_312 : memref<1x256xi32, #tpu.memory_space<hbm>> -> memref<256xi32, #tpu.memory_space<hbm>>
        %dma_start3A_314 = tpu.memref_slice %arg3[%dma_start3A_311, %mul3A_310] : memref<2x320000xi32, #tpu.memory_space<hbm>> -> memref<1x256xi32, #tpu.memory_space<hbm>>
        %dma_start3A_315 = tpu.memref_squeeze %dma_start3A_314 : memref<1x256xi32, #tpu.memory_space<hbm>> -> memref<256xi32, #tpu.memory_space<hbm>>
        tpu.enqueue_dma source(%dma_start3A_315 : memref<256xi32, #tpu.memory_space<hbm>>) target(%arg10 : memref<256xi32, #tpu.memory_space<vmem>>) target_semaphore(%arg23 : memref<!tpu.dma_semaphore, #tpu.memory_space<semaphore_mem>>)
      } else {
      }
      %convert_element_type3A_195 = arith.extui %eq3A_97 : i1 to i32
      %cond3A_196 = arith.constant 0 : i32
      %cond3A_197 = arith.cmpi ne, %convert_element_type3A_195, %cond3A_196 : i32
      scf.if %cond3A_197 {
        %lt3A_298 = arith.constant 15 : i32
        %lt3A_299 = arith.cmpi slt, %arg1, %lt3A_298 : i32
        %convert_element_type3A_300 = arith.extui %lt3A_299 : i1 to i32
        %cond3A_301 = arith.constant 0 : i32
        %cond3A_302 = arith.cmpi ne, %convert_element_type3A_300, %cond3A_301 : i32
        scf.if %cond3A_302 {
          %dma_wait3A_309 = arith.constant 0 : i32
          %dma_wait3A_310 = tpu.memref_slice %arg13[%mul3A_2, %dma_wait3A_309] : memref<10000x128xf32, #tpu.memory_space<vmem_shared>> -> memref<624x128xf32, #tpu.memory_space<vmem_shared>>
          %dma_wait3A_311 = arith.constant 0 : i32
          %dma_wait3A_312 = arith.constant 0 : i32
          %dma_wait3A_313 = tpu.memref_slice %arg5[%dma_wait3A_311, %dma_wait3A_312] : memref<640x128xf32, #tpu.memory_space<hbm>> -> memref<624x128xf32, #tpu.memory_space<hbm>>
          tpu.wait_dma2 semaphore(%arg25 : memref<!tpu.dma_semaphore, #tpu.memory_space<semaphore_mem>>) src(%dma_wait3A_313 : memref<624x128xf32, #tpu.memory_space<hbm>>) dst(%dma_wait3A_310 : memref<624x128xf32, #tpu.memory_space<vmem_shared>>)
        } else {
        }
        %eq3A_303 = arith.constant 15 : i32
        %eq3A_304 = arith.cmpi eq, %arg1, %eq3A_303 : i32
        %convert_element_type3A_305 = arith.extui %eq3A_304 : i1 to i32
        %cond3A_306 = arith.constant 0 : i32
        %cond3A_307 = arith.cmpi ne, %convert_element_type3A_305, %cond3A_306 : i32
        scf.if %cond3A_307 {
          %dma_wait3A_309 = arith.constant 0 : i32
          %dma_wait3A_310 = tpu.memref_slice %arg13[%mul3A_2, %dma_wait3A_309] : memref<10000x128xf32, #tpu.memory_space<vmem_shared>> -> memref<640x128xf32, #tpu.memory_space<vmem_shared>>
          tpu.wait_dma2 semaphore(%arg25 : memref<!tpu.dma_semaphore, #tpu.memory_space<semaphore_mem>>) src(%arg5 : memref<640x128xf32, #tpu.memory_space<hbm>>) dst(%dma_wait3A_310 : memref<640x128xf32, #tpu.memory_space<vmem_shared>>)
        } else {
        }
        %barrier3A_308 = arith.constant 0 : index
        tpu.barrier barrier_id(%barrier3A_308)
      } else {
      }
      %dma_wait3A_198 = arith.constant 0 : i32
      %dma_wait3A_199 = arith.constant 0 : i32
      %dma_wait3A_200 = arith.constant 0 : i32
      %dma_wait3A_201 = arith.constant 0 : i32
      %dma_wait3A_202 = tpu.memref_slice %arg12[%dma_wait3A_199, %dma_wait3A_200, %dma_wait3A_201] : memref<4x64x128xf32, #tpu.memory_space<vmem>> -> memref<1x64x128xf32, #tpu.memory_space<vmem>>
      %dma_wait3A_203 = tpu.memref_squeeze %dma_wait3A_202 : memref<1x64x128xf32, #tpu.memory_space<vmem>> -> memref<64x128xf32, #tpu.memory_space<vmem>>
      %dma_wait3A_204 = arith.constant 0 : i32
      %dma_wait3A_205 = tpu.memref_slice %arg11[%dma_wait3A_198, %dma_wait3A_204] : memref<4x64xi32, #tpu.memory_space<vmem>> -> memref<1x64xi32, #tpu.memory_space<vmem>>
      %dma_wait3A_206 = tpu.memref_squeeze %dma_wait3A_205 : memref<1x64xi32, #tpu.memory_space<vmem>> -> memref<64xi32, #tpu.memory_space<vmem>>
      %dma_wait3A_207 = arith.constant 0 : i32
      %dma_wait3A_208 = arith.constant 0 : i32
      %dma_wait3A_209 = tpu.memref_slice %arg2[%dma_wait3A_207, %dma_wait3A_208] : memref<50000x128xf32, #tpu.memory_space<hbm>> -> memref<50000x128xf32, #tpu.memory_space<hbm>>
      tpu.wait_indirect_dma semaphore(%arg14 : memref<!tpu.dma_semaphore, #tpu.memory_space<semaphore_mem>>) src(%dma_wait3A_209 : memref<50000x128xf32, #tpu.memory_space<hbm>>) dst(%dma_wait3A_203 : memref<64x128xf32, #tpu.memory_space<vmem>>)
      %add3A_210 = arith.constant 0 : i32
      %add3A_211 = arith.addi %mul3A_96, %add3A_210 : i32
      %dma_start3A_212 = arith.constant 0 : i32
      %dma_start3A_213 = arith.constant 0 : i32
      %dma_start3A_214 = arith.constant 0 : i32
      %dma_start3A_215 = tpu.memref_slice %arg12[%dma_start3A_212, %dma_start3A_213, %dma_start3A_214] : memref<4x64x128xf32, #tpu.memory_space<vmem>> -> memref<1x64x128xf32, #tpu.memory_space<vmem>>
      %dma_start3A_216 = tpu.memref_squeeze %dma_start3A_215 : memref<1x64x128xf32, #tpu.memory_space<vmem>> -> memref<64x128xf32, #tpu.memory_space<vmem>>
      %dma_start3A_217 = arith.constant 0 : i32
      %dma_start3A_218 = tpu.memref_slice %arg8[%add3A_211, %dma_start3A_217] : memref<8x64xi32, #tpu.memory_space<vmem>> -> memref<1x64xi32, #tpu.memory_space<vmem>>
      %dma_start3A_219 = tpu.memref_squeeze %dma_start3A_218 : memref<1x64xi32, #tpu.memory_space<vmem>> -> memref<64xi32, #tpu.memory_space<vmem>>
      %dma_start3A_220 = arith.constant 0 : i32
      %dma_start3A_221 = arith.constant 0 : i32
      %dma_start3A_222 = tpu.memref_slice %arg13[%dma_start3A_220, %dma_start3A_221] : memref<10000x128xf32, #tpu.memory_space<vmem_shared>> -> memref<10000x128xf32, #tpu.memory_space<vmem_shared>>
      tpu.enqueue_indirect_dma source(%dma_start3A_216 : memref<64x128xf32, #tpu.memory_space<vmem>>) target(%dma_start3A_222 : memref<10000x128xf32, #tpu.memory_space<vmem_shared>>) offsets(%dma_start3A_219 : memref<64xi32, #tpu.memory_space<vmem>>) semaphore(%arg18 : memref<!tpu.dma_semaphore, #tpu.memory_space<semaphore_mem>>) {add = true}
      %dma_wait3A_223 = arith.constant 1 : i32
      %dma_wait3A_224 = arith.constant 1 : i32
      %dma_wait3A_225 = arith.constant 0 : i32
      %dma_wait3A_226 = arith.constant 0 : i32
      %dma_wait3A_227 = tpu.memref_slice %arg12[%dma_wait3A_224, %dma_wait3A_225, %dma_wait3A_226] : memref<4x64x128xf32, #tpu.memory_space<vmem>> -> memref<1x64x128xf32, #tpu.memory_space<vmem>>
      %dma_wait3A_228 = tpu.memref_squeeze %dma_wait3A_227 : memref<1x64x128xf32, #tpu.memory_space<vmem>> -> memref<64x128xf32, #tpu.memory_space<vmem>>
      %dma_wait3A_229 = arith.constant 0 : i32
      %dma_wait3A_230 = tpu.memref_slice %arg11[%dma_wait3A_223, %dma_wait3A_229] : memref<4x64xi32, #tpu.memory_space<vmem>> -> memref<1x64xi32, #tpu.memory_space<vmem>>
      %dma_wait3A_231 = tpu.memref_squeeze %dma_wait3A_230 : memref<1x64xi32, #tpu.memory_space<vmem>> -> memref<64xi32, #tpu.memory_space<vmem>>
      %dma_wait3A_232 = arith.constant 0 : i32
      %dma_wait3A_233 = arith.constant 0 : i32
      %dma_wait3A_234 = tpu.memref_slice %arg2[%dma_wait3A_232, %dma_wait3A_233] : memref<50000x128xf32, #tpu.memory_space<hbm>> -> memref<50000x128xf32, #tpu.memory_space<hbm>>
      tpu.wait_indirect_dma semaphore(%arg15 : memref<!tpu.dma_semaphore, #tpu.memory_space<semaphore_mem>>) src(%dma_wait3A_234 : memref<50000x128xf32, #tpu.memory_space<hbm>>) dst(%dma_wait3A_228 : memref<64x128xf32, #tpu.memory_space<vmem>>)
      %add3A_235 = arith.constant 1 : i32
      %add3A_236 = arith.addi %mul3A_96, %add3A_235 : i32
      %dma_start3A_237 = arith.constant 1 : i32
      %dma_start3A_238 = arith.constant 0 : i32
      %dma_start3A_239 = arith.constant 0 : i32
      %dma_start3A_240 = tpu.memref_slice %arg12[%dma_start3A_237, %dma_start3A_238, %dma_start3A_239] : memref<4x64x128xf32, #tpu.memory_space<vmem>> -> memref<1x64x128xf32, #tpu.memory_space<vmem>>
      %dma_start3A_241 = tpu.memref_squeeze %dma_start3A_240 : memref<1x64x128xf32, #tpu.memory_space<vmem>> -> memref<64x128xf32, #tpu.memory_space<vmem>>
      %dma_start3A_242 = arith.constant 0 : i32
      %dma_start3A_243 = tpu.memref_slice %arg8[%add3A_236, %dma_start3A_242] : memref<8x64xi32, #tpu.memory_space<vmem>> -> memref<1x64xi32, #tpu.memory_space<vmem>>
      %dma_start3A_244 = tpu.memref_squeeze %dma_start3A_243 : memref<1x64xi32, #tpu.memory_space<vmem>> -> memref<64xi32, #tpu.memory_space<vmem>>
      %dma_start3A_245 = arith.constant 0 : i32
      %dma_start3A_246 = arith.constant 0 : i32
      %dma_start3A_247 = tpu.memref_slice %arg13[%dma_start3A_245, %dma_start3A_246] : memref<10000x128xf32, #tpu.memory_space<vmem_shared>> -> memref<10000x128xf32, #tpu.memory_space<vmem_shared>>
      tpu.enqueue_indirect_dma source(%dma_start3A_241 : memref<64x128xf32, #tpu.memory_space<vmem>>) target(%dma_start3A_247 : memref<10000x128xf32, #tpu.memory_space<vmem_shared>>) offsets(%dma_start3A_244 : memref<64xi32, #tpu.memory_space<vmem>>) semaphore(%arg19 : memref<!tpu.dma_semaphore, #tpu.memory_space<semaphore_mem>>) {add = true}
      %dma_wait3A_248 = arith.constant 2 : i32
      %dma_wait3A_249 = arith.constant 2 : i32
      %dma_wait3A_250 = arith.constant 0 : i32
      %dma_wait3A_251 = arith.constant 0 : i32
      %dma_wait3A_252 = tpu.memref_slice %arg12[%dma_wait3A_249, %dma_wait3A_250, %dma_wait3A_251] : memref<4x64x128xf32, #tpu.memory_space<vmem>> -> memref<1x64x128xf32, #tpu.memory_space<vmem>>
      %dma_wait3A_253 = tpu.memref_squeeze %dma_wait3A_252 : memref<1x64x128xf32, #tpu.memory_space<vmem>> -> memref<64x128xf32, #tpu.memory_space<vmem>>
      %dma_wait3A_254 = arith.constant 0 : i32
      %dma_wait3A_255 = tpu.memref_slice %arg11[%dma_wait3A_248, %dma_wait3A_254] : memref<4x64xi32, #tpu.memory_space<vmem>> -> memref<1x64xi32, #tpu.memory_space<vmem>>
      %dma_wait3A_256 = tpu.memref_squeeze %dma_wait3A_255 : memref<1x64xi32, #tpu.memory_space<vmem>> -> memref<64xi32, #tpu.memory_space<vmem>>
      %dma_wait3A_257 = arith.constant 0 : i32
      %dma_wait3A_258 = arith.constant 0 : i32
      %dma_wait3A_259 = tpu.memref_slice %arg2[%dma_wait3A_257, %dma_wait3A_258] : memref<50000x128xf32, #tpu.memory_space<hbm>> -> memref<50000x128xf32, #tpu.memory_space<hbm>>
      tpu.wait_indirect_dma semaphore(%arg16 : memref<!tpu.dma_semaphore, #tpu.memory_space<semaphore_mem>>) src(%dma_wait3A_259 : memref<50000x128xf32, #tpu.memory_space<hbm>>) dst(%dma_wait3A_253 : memref<64x128xf32, #tpu.memory_space<vmem>>)
      %add3A_260 = arith.constant 2 : i32
      %add3A_261 = arith.addi %mul3A_96, %add3A_260 : i32
      %dma_start3A_262 = arith.constant 2 : i32
      %dma_start3A_263 = arith.constant 0 : i32
      %dma_start3A_264 = arith.constant 0 : i32
      %dma_start3A_265 = tpu.memref_slice %arg12[%dma_start3A_262, %dma_start3A_263, %dma_start3A_264] : memref<4x64x128xf32, #tpu.memory_space<vmem>> -> memref<1x64x128xf32, #tpu.memory_space<vmem>>
      %dma_start3A_266 = tpu.memref_squeeze %dma_start3A_265 : memref<1x64x128xf32, #tpu.memory_space<vmem>> -> memref<64x128xf32, #tpu.memory_space<vmem>>
      %dma_start3A_267 = arith.constant 0 : i32
      %dma_start3A_268 = tpu.memref_slice %arg8[%add3A_261, %dma_start3A_267] : memref<8x64xi32, #tpu.memory_space<vmem>> -> memref<1x64xi32, #tpu.memory_space<vmem>>
      %dma_start3A_269 = tpu.memref_squeeze %dma_start3A_268 : memref<1x64xi32, #tpu.memory_space<vmem>> -> memref<64xi32, #tpu.memory_space<vmem>>
      %dma_start3A_270 = arith.constant 0 : i32
      %dma_start3A_271 = arith.constant 0 : i32
      %dma_start3A_272 = tpu.memref_slice %arg13[%dma_start3A_270, %dma_start3A_271] : memref<10000x128xf32, #tpu.memory_space<vmem_shared>> -> memref<10000x128xf32, #tpu.memory_space<vmem_shared>>
      tpu.enqueue_indirect_dma source(%dma_start3A_266 : memref<64x128xf32, #tpu.memory_space<vmem>>) target(%dma_start3A_272 : memref<10000x128xf32, #tpu.memory_space<vmem_shared>>) offsets(%dma_start3A_269 : memref<64xi32, #tpu.memory_space<vmem>>) semaphore(%arg20 : memref<!tpu.dma_semaphore, #tpu.memory_space<semaphore_mem>>) {add = true}
      %dma_wait3A_273 = arith.constant 3 : i32
      %dma_wait3A_274 = arith.constant 3 : i32
      %dma_wait3A_275 = arith.constant 0 : i32
      %dma_wait3A_276 = arith.constant 0 : i32
      %dma_wait3A_277 = tpu.memref_slice %arg12[%dma_wait3A_274, %dma_wait3A_275, %dma_wait3A_276] : memref<4x64x128xf32, #tpu.memory_space<vmem>> -> memref<1x64x128xf32, #tpu.memory_space<vmem>>
      %dma_wait3A_278 = tpu.memref_squeeze %dma_wait3A_277 : memref<1x64x128xf32, #tpu.memory_space<vmem>> -> memref<64x128xf32, #tpu.memory_space<vmem>>
      %dma_wait3A_279 = arith.constant 0 : i32
      %dma_wait3A_280 = tpu.memref_slice %arg11[%dma_wait3A_273, %dma_wait3A_279] : memref<4x64xi32, #tpu.memory_space<vmem>> -> memref<1x64xi32, #tpu.memory_space<vmem>>
      %dma_wait3A_281 = tpu.memref_squeeze %dma_wait3A_280 : memref<1x64xi32, #tpu.memory_space<vmem>> -> memref<64xi32, #tpu.memory_space<vmem>>
      %dma_wait3A_282 = arith.constant 0 : i32
      %dma_wait3A_283 = arith.constant 0 : i32
      %dma_wait3A_284 = tpu.memref_slice %arg2[%dma_wait3A_282, %dma_wait3A_283] : memref<50000x128xf32, #tpu.memory_space<hbm>> -> memref<50000x128xf32, #tpu.memory_space<hbm>>
      tpu.wait_indirect_dma semaphore(%arg17 : memref<!tpu.dma_semaphore, #tpu.memory_space<semaphore_mem>>) src(%dma_wait3A_284 : memref<50000x128xf32, #tpu.memory_space<hbm>>) dst(%dma_wait3A_278 : memref<64x128xf32, #tpu.memory_space<vmem>>)
      %add3A_285 = arith.constant 3 : i32
      %add3A_286 = arith.addi %mul3A_96, %add3A_285 : i32
      %dma_start3A_287 = arith.constant 3 : i32
      %dma_start3A_288 = arith.constant 0 : i32
      %dma_start3A_289 = arith.constant 0 : i32
      %dma_start3A_290 = tpu.memref_slice %arg12[%dma_start3A_287, %dma_start3A_288, %dma_start3A_289] : memref<4x64x128xf32, #tpu.memory_space<vmem>> -> memref<1x64x128xf32, #tpu.memory_space<vmem>>
      %dma_start3A_291 = tpu.memref_squeeze %dma_start3A_290 : memref<1x64x128xf32, #tpu.memory_space<vmem>> -> memref<64x128xf32, #tpu.memory_space<vmem>>
      %dma_start3A_292 = arith.constant 0 : i32
      %dma_start3A_293 = tpu.memref_slice %arg8[%add3A_286, %dma_start3A_292] : memref<8x64xi32, #tpu.memory_space<vmem>> -> memref<1x64xi32, #tpu.memory_space<vmem>>
      %dma_start3A_294 = tpu.memref_squeeze %dma_start3A_293 : memref<1x64xi32, #tpu.memory_space<vmem>> -> memref<64xi32, #tpu.memory_space<vmem>>
      %dma_start3A_295 = arith.constant 0 : i32
      %dma_start3A_296 = arith.constant 0 : i32
      %dma_start3A_297 = tpu.memref_slice %arg13[%dma_start3A_295, %dma_start3A_296] : memref<10000x128xf32, #tpu.memory_space<vmem_shared>> -> memref<10000x128xf32, #tpu.memory_space<vmem_shared>>
      tpu.enqueue_indirect_dma source(%dma_start3A_291 : memref<64x128xf32, #tpu.memory_space<vmem>>) target(%dma_start3A_297 : memref<10000x128xf32, #tpu.memory_space<vmem_shared>>) offsets(%dma_start3A_294 : memref<64xi32, #tpu.memory_space<vmem>>) semaphore(%arg21 : memref<!tpu.dma_semaphore, #tpu.memory_space<semaphore_mem>>) {add = true}
    }
    %dma_wait3A = arith.constant 0 : i32
    %dma_wait3A_31 = arith.constant 0 : i32
    %dma_wait3A_32 = arith.constant 0 : i32
    %dma_wait3A_33 = arith.constant 0 : i32
    %dma_wait3A_34 = tpu.memref_slice %arg12[%dma_wait3A, %dma_wait3A_32, %dma_wait3A_33] : memref<4x64x128xf32, #tpu.memory_space<vmem>> -> memref<1x64x128xf32, #tpu.memory_space<vmem>>
    %dma_wait3A_35 = tpu.memref_squeeze %dma_wait3A_34 : memref<1x64x128xf32, #tpu.memory_space<vmem>> -> memref<64x128xf32, #tpu.memory_space<vmem>>
    %dma_wait3A_36 = arith.constant 0 : i32
    %dma_wait3A_37 = tpu.memref_slice %arg8[%dma_wait3A_31, %dma_wait3A_36] : memref<8x64xi32, #tpu.memory_space<vmem>> -> memref<1x64xi32, #tpu.memory_space<vmem>>
    %dma_wait3A_38 = tpu.memref_squeeze %dma_wait3A_37 : memref<1x64xi32, #tpu.memory_space<vmem>> -> memref<64xi32, #tpu.memory_space<vmem>>
    %dma_wait3A_39 = arith.constant 0 : i32
    %dma_wait3A_40 = arith.constant 0 : i32
    %dma_wait3A_41 = tpu.memref_slice %arg13[%dma_wait3A_39, %dma_wait3A_40] : memref<10000x128xf32, #tpu.memory_space<vmem_shared>> -> memref<10000x128xf32, #tpu.memory_space<vmem_shared>>
    tpu.wait_indirect_dma semaphore(%arg18 : memref<!tpu.dma_semaphore, #tpu.memory_space<semaphore_mem>>) src(%dma_wait3A_35 : memref<64x128xf32, #tpu.memory_space<vmem>>) dst(%dma_wait3A_41 : memref<10000x128xf32, #tpu.memory_space<vmem_shared>>)
    %dma_wait3A_42 = arith.constant 1 : i32
    %dma_wait3A_43 = arith.constant 1 : i32
    %dma_wait3A_44 = arith.constant 0 : i32
    %dma_wait3A_45 = arith.constant 0 : i32
    %dma_wait3A_46 = tpu.memref_slice %arg12[%dma_wait3A_42, %dma_wait3A_44, %dma_wait3A_45] : memref<4x64x128xf32, #tpu.memory_space<vmem>> -> memref<1x64x128xf32, #tpu.memory_space<vmem>>
    %dma_wait3A_47 = tpu.memref_squeeze %dma_wait3A_46 : memref<1x64x128xf32, #tpu.memory_space<vmem>> -> memref<64x128xf32, #tpu.memory_space<vmem>>
    %dma_wait3A_48 = arith.constant 0 : i32
    %dma_wait3A_49 = tpu.memref_slice %arg8[%dma_wait3A_43, %dma_wait3A_48] : memref<8x64xi32, #tpu.memory_space<vmem>> -> memref<1x64xi32, #tpu.memory_space<vmem>>
    %dma_wait3A_50 = tpu.memref_squeeze %dma_wait3A_49 : memref<1x64xi32, #tpu.memory_space<vmem>> -> memref<64xi32, #tpu.memory_space<vmem>>
    %dma_wait3A_51 = arith.constant 0 : i32
    %dma_wait3A_52 = arith.constant 0 : i32
    %dma_wait3A_53 = tpu.memref_slice %arg13[%dma_wait3A_51, %dma_wait3A_52] : memref<10000x128xf32, #tpu.memory_space<vmem_shared>> -> memref<10000x128xf32, #tpu.memory_space<vmem_shared>>
    tpu.wait_indirect_dma semaphore(%arg19 : memref<!tpu.dma_semaphore, #tpu.memory_space<semaphore_mem>>) src(%dma_wait3A_47 : memref<64x128xf32, #tpu.memory_space<vmem>>) dst(%dma_wait3A_53 : memref<10000x128xf32, #tpu.memory_space<vmem_shared>>)
    %dma_wait3A_54 = arith.constant 2 : i32
    %dma_wait3A_55 = arith.constant 2 : i32
    %dma_wait3A_56 = arith.constant 0 : i32
    %dma_wait3A_57 = arith.constant 0 : i32
    %dma_wait3A_58 = tpu.memref_slice %arg12[%dma_wait3A_54, %dma_wait3A_56, %dma_wait3A_57] : memref<4x64x128xf32, #tpu.memory_space<vmem>> -> memref<1x64x128xf32, #tpu.memory_space<vmem>>
    %dma_wait3A_59 = tpu.memref_squeeze %dma_wait3A_58 : memref<1x64x128xf32, #tpu.memory_space<vmem>> -> memref<64x128xf32, #tpu.memory_space<vmem>>
    %dma_wait3A_60 = arith.constant 0 : i32
    %dma_wait3A_61 = tpu.memref_slice %arg8[%dma_wait3A_55, %dma_wait3A_60] : memref<8x64xi32, #tpu.memory_space<vmem>> -> memref<1x64xi32, #tpu.memory_space<vmem>>
    %dma_wait3A_62 = tpu.memref_squeeze %dma_wait3A_61 : memref<1x64xi32, #tpu.memory_space<vmem>> -> memref<64xi32, #tpu.memory_space<vmem>>
    %dma_wait3A_63 = arith.constant 0 : i32
    %dma_wait3A_64 = arith.constant 0 : i32
    %dma_wait3A_65 = tpu.memref_slice %arg13[%dma_wait3A_63, %dma_wait3A_64] : memref<10000x128xf32, #tpu.memory_space<vmem_shared>> -> memref<10000x128xf32, #tpu.memory_space<vmem_shared>>
    tpu.wait_indirect_dma semaphore(%arg20 : memref<!tpu.dma_semaphore, #tpu.memory_space<semaphore_mem>>) src(%dma_wait3A_59 : memref<64x128xf32, #tpu.memory_space<vmem>>) dst(%dma_wait3A_65 : memref<10000x128xf32, #tpu.memory_space<vmem_shared>>)
    %dma_wait3A_66 = arith.constant 3 : i32
    %dma_wait3A_67 = arith.constant 3 : i32
    %dma_wait3A_68 = arith.constant 0 : i32
    %dma_wait3A_69 = arith.constant 0 : i32
    %dma_wait3A_70 = tpu.memref_slice %arg12[%dma_wait3A_66, %dma_wait3A_68, %dma_wait3A_69] : memref<4x64x128xf32, #tpu.memory_space<vmem>> -> memref<1x64x128xf32, #tpu.memory_space<vmem>>
    %dma_wait3A_71 = tpu.memref_squeeze %dma_wait3A_70 : memref<1x64x128xf32, #tpu.memory_space<vmem>> -> memref<64x128xf32, #tpu.memory_space<vmem>>
    %dma_wait3A_72 = arith.constant 0 : i32
    %dma_wait3A_73 = tpu.memref_slice %arg8[%dma_wait3A_67, %dma_wait3A_72] : memref<8x64xi32, #tpu.memory_space<vmem>> -> memref<1x64xi32, #tpu.memory_space<vmem>>
    %dma_wait3A_74 = tpu.memref_squeeze %dma_wait3A_73 : memref<1x64xi32, #tpu.memory_space<vmem>> -> memref<64xi32, #tpu.memory_space<vmem>>
    %dma_wait3A_75 = arith.constant 0 : i32
    %dma_wait3A_76 = arith.constant 0 : i32
    %dma_wait3A_77 = tpu.memref_slice %arg13[%dma_wait3A_75, %dma_wait3A_76] : memref<10000x128xf32, #tpu.memory_space<vmem_shared>> -> memref<10000x128xf32, #tpu.memory_space<vmem_shared>>
    tpu.wait_indirect_dma semaphore(%arg21 : memref<!tpu.dma_semaphore, #tpu.memory_space<semaphore_mem>>) src(%dma_wait3A_71 : memref<64x128xf32, #tpu.memory_space<vmem>>) dst(%dma_wait3A_77 : memref<10000x128xf32, #tpu.memory_space<vmem_shared>>)
    %barrier3A = arith.constant 0 : index
    tpu.barrier barrier_id(%barrier3A)
    %lt3A_78 = arith.constant 15 : i32
    %lt3A_79 = arith.cmpi slt, %arg1, %lt3A_78 : i32
    %convert_element_type3A_80 = arith.extui %lt3A_79 : i1 to i32
    %cond3A_81 = arith.constant 0 : i32
    %cond3A_82 = arith.cmpi ne, %convert_element_type3A_80, %cond3A_81 : i32
    scf.if %cond3A_82 {
      "tpu.region"() ({
        %run_scoped3A_88 = tpu.sem_alloc : memref<!tpu.dma_semaphore, #tpu.memory_space<semaphore_mem>>
        %dma_start3A = arith.constant 0 : i32
        %dma_start3A_89 = tpu.memref_slice %arg6[%arg0, %mul3A_2, %dma_start3A] : memref<2x10000x128xf32, #tpu.memory_space<hbm>> -> memref<1x624x128xf32, #tpu.memory_space<hbm>>
        %dma_start3A_90 = tpu.memref_squeeze %dma_start3A_89 : memref<1x624x128xf32, #tpu.memory_space<hbm>> -> memref<624x128xf32, #tpu.memory_space<hbm>>
        %dma_start3A_91 = arith.constant 0 : i32
        %dma_start3A_92 = tpu.memref_slice %arg13[%mul3A_2, %dma_start3A_91] : memref<10000x128xf32, #tpu.memory_space<vmem_shared>> -> memref<624x128xf32, #tpu.memory_space<vmem_shared>>
        tpu.enqueue_dma source(%dma_start3A_92 : memref<624x128xf32, #tpu.memory_space<vmem_shared>>) target(%dma_start3A_90 : memref<624x128xf32, #tpu.memory_space<hbm>>) target_semaphore(%run_scoped3A_88 : memref<!tpu.dma_semaphore, #tpu.memory_space<semaphore_mem>>)
        %dma_wait3A_93 = arith.constant 0 : i32
        %dma_wait3A_94 = tpu.memref_slice %arg6[%arg0, %mul3A_2, %dma_wait3A_93] : memref<2x10000x128xf32, #tpu.memory_space<hbm>> -> memref<1x624x128xf32, #tpu.memory_space<hbm>>
        %dma_wait3A_95 = tpu.memref_squeeze %dma_wait3A_94 : memref<1x624x128xf32, #tpu.memory_space<hbm>> -> memref<624x128xf32, #tpu.memory_space<hbm>>
        %dma_wait3A_96 = arith.constant 0 : i32
        %dma_wait3A_97 = tpu.memref_slice %arg13[%mul3A_2, %dma_wait3A_96] : memref<10000x128xf32, #tpu.memory_space<vmem_shared>> -> memref<624x128xf32, #tpu.memory_space<vmem_shared>>
        tpu.wait_dma2 semaphore(%run_scoped3A_88 : memref<!tpu.dma_semaphore, #tpu.memory_space<semaphore_mem>>) src(%dma_wait3A_97 : memref<624x128xf32, #tpu.memory_space<vmem_shared>>) dst(%dma_wait3A_95 : memref<624x128xf32, #tpu.memory_space<hbm>>)
        tpu.yield
      }) : () -> ()
    } else {
    }
    %eq3A_83 = arith.constant 15 : i32
    %eq3A_84 = arith.cmpi eq, %arg1, %eq3A_83 : i32
    %convert_element_type3A_85 = arith.extui %eq3A_84 : i1 to i32
    %cond3A_86 = arith.constant 0 : i32
    %cond3A_87 = arith.cmpi ne, %convert_element_type3A_85, %cond3A_86 : i32
    scf.if %cond3A_87 {
      "tpu.region"() ({
        %run_scoped3A_88 = tpu.sem_alloc : memref<!tpu.dma_semaphore, #tpu.memory_space<semaphore_mem>>
        %dma_start3A = arith.constant 0 : i32
        %dma_start3A_89 = tpu.memref_slice %arg6[%arg0, %mul3A_2, %dma_start3A] : memref<2x10000x128xf32, #tpu.memory_space<hbm>> -> memref<1x640x128xf32, #tpu.memory_space<hbm>>
        %dma_start3A_90 = tpu.memref_squeeze %dma_start3A_89 : memref<1x640x128xf32, #tpu.memory_space<hbm>> -> memref<640x128xf32, #tpu.memory_space<hbm>>
        %dma_start3A_91 = arith.constant 0 : i32
        %dma_start3A_92 = tpu.memref_slice %arg13[%mul3A_2, %dma_start3A_91] : memref<10000x128xf32, #tpu.memory_space<vmem_shared>> -> memref<640x128xf32, #tpu.memory_space<vmem_shared>>
        tpu.enqueue_dma source(%dma_start3A_92 : memref<640x128xf32, #tpu.memory_space<vmem_shared>>) target(%dma_start3A_90 : memref<640x128xf32, #tpu.memory_space<hbm>>) target_semaphore(%run_scoped3A_88 : memref<!tpu.dma_semaphore, #tpu.memory_space<semaphore_mem>>)
        %dma_wait3A_93 = arith.constant 0 : i32
        %dma_wait3A_94 = tpu.memref_slice %arg6[%arg0, %mul3A_2, %dma_wait3A_93] : memref<2x10000x128xf32, #tpu.memory_space<hbm>> -> memref<1x640x128xf32, #tpu.memory_space<hbm>>
        %dma_wait3A_95 = tpu.memref_squeeze %dma_wait3A_94 : memref<1x640x128xf32, #tpu.memory_space<hbm>> -> memref<640x128xf32, #tpu.memory_space<hbm>>
        %dma_wait3A_96 = arith.constant 0 : i32
        %dma_wait3A_97 = tpu.memref_slice %arg13[%mul3A_2, %dma_wait3A_96] : memref<10000x128xf32, #tpu.memory_space<vmem_shared>> -> memref<640x128xf32, #tpu.memory_space<vmem_shared>>
        tpu.wait_dma2 semaphore(%run_scoped3A_88 : memref<!tpu.dma_semaphore, #tpu.memory_space<semaphore_mem>>) src(%dma_wait3A_97 : memref<640x128xf32, #tpu.memory_space<vmem_shared>>) dst(%dma_wait3A_95 : memref<640x128xf32, #tpu.memory_space<hbm>>)
        tpu.yield
      }) : () -> ()
    } else {
    }
    return
  }
}

module attributes {stable_mosaic.version = 14 : i64} {
  func.func @_update_body(%arg0: i32, %arg1: memref<2000x128xf32, #tpu.memory_space<vmem>>, %arg2: memref<2x2000x128xf32, #tpu.memory_space<vmem>>, %arg3: memref<128x256xf32, #tpu.memory_space<vmem>>, %arg4: memref<1x128xf32, #tpu.memory_space<vmem>>, %arg5: memref<1x128xf32, #tpu.memory_space<vmem>>, %arg6: memref<1x128xf32, #tpu.memory_space<vmem>>, %arg7: memref<2000x128xf32, #tpu.memory_space<vmem>>) attributes {dimension_semantics = [#tpu.dimension_semantics<arbitrary>], iteration_bounds = array<i64: 5>, scalar_prefetch = 0 : i64, scratch_operands = 0 : i64, tpu.core_type = #tpu.core_type<tc>, window_params = [{transform_indices = @transform_0, window_bounds = array<i64: 2000, 128>}, {transform_indices = @transform_1, window_bounds = array<i64: 2, 2000, 128>}, {pipeline_mode = #tpu.pipeline_mode<synchronous>, transform_indices = @transform_2, window_bounds = array<i64: 128, 256>}, {pipeline_mode = #tpu.pipeline_mode<synchronous>, transform_indices = @transform_3, window_bounds = array<i64: 1, 128>}, {pipeline_mode = #tpu.pipeline_mode<synchronous>, transform_indices = @transform_4, window_bounds = array<i64: 1, 128>}, {pipeline_mode = #tpu.pipeline_mode<synchronous>, transform_indices = @transform_5, window_bounds = array<i64: 1, 128>}, {transform_indices = @transform_6, window_bounds = array<i64: 2000, 128>}]} {
    %get3A = arith.constant 0 : index
    %get3A_0 = arith.constant 0 : index
    %get3A_1 = vector.load %arg1[%get3A, %get3A_0] : memref<2000x128xf32, #tpu.memory_space<vmem>>, vector<2000x128xf32>
    %get3A_2 = arith.constant 0 : index
    %get3A_3 = arith.constant 0 : index
    %get3A_4 = arith.constant 0 : index
    %get3A_5 = vector.load %arg2[%get3A_2, %get3A_3, %get3A_4] : memref<2x2000x128xf32, #tpu.memory_space<vmem>>, vector<1x2000x128xf32>
    %get3A_6 = vector.shape_cast %get3A_5 : vector<1x2000x128xf32> to vector<2000x128xf32>
    %get3A_7 = arith.constant 1 : index
    %get3A_8 = arith.constant 0 : index
    %get3A_9 = arith.constant 0 : index
    %get3A_10 = vector.load %arg2[%get3A_7, %get3A_8, %get3A_9] : memref<2x2000x128xf32, #tpu.memory_space<vmem>>, vector<1x2000x128xf32>
    %get3A_11 = vector.shape_cast %get3A_10 : vector<1x2000x128xf32> to vector<2000x128xf32>
    %add3A = arith.addf %get3A_6, %get3A_11 : vector<2000x128xf32>
    %get3A_12 = arith.constant 0 : index
    %get3A_13 = arith.constant 0 : index
    %get3A_14 = vector.load %arg3[%get3A_12, %get3A_13] : memref<128x256xf32, #tpu.memory_space<vmem>>, vector<128x256xf32>
    %slice3A = vector.extract_strided_slice %get3A_14 {offsets = [0, 0], sizes = [128, 128], strides = [1, 1]} : vector<128x256xf32> to vector<128x128xf32>
    %dot_general3A = arith.constant dense<0.000000e+00> : vector<2000x128xf32>
    %dot_general3A_15 = tpu.matmul %get3A_1, %slice3A, %dot_general3A {dimension_numbers = #tpu.dot_dimension_numbers<[1], [1], [0], [0], [0, 0, 1, 0], [], []>, transpose_lhs_hint = false} : vector<2000x128xf32>, vector<128x128xf32>, vector<2000x128xf32> -> vector<2000x128xf32>
    %slice3A_16 = vector.extract_strided_slice %get3A_14 {offsets = [0, 128], sizes = [128, 128], strides = [1, 1]} : vector<128x256xf32> to vector<128x128xf32>
    %dot_general3A_17 = arith.constant dense<0.000000e+00> : vector<2000x128xf32>
    %dot_general3A_18 = tpu.matmul %add3A, %slice3A_16, %dot_general3A_17 {dimension_numbers = #tpu.dot_dimension_numbers<[1], [1], [0], [0], [0, 0, 1, 0], [], []>, transpose_lhs_hint = false} : vector<2000x128xf32>, vector<128x128xf32>, vector<2000x128xf32> -> vector<2000x128xf32>
    %add3A_19 = arith.addf %dot_general3A_15, %dot_general3A_18 : vector<2000x128xf32>
    %get3A_20 = arith.constant 0 : index
    %get3A_21 = arith.constant 0 : index
    %get3A_22 = vector.load %arg4[%get3A_20, %get3A_21] : memref<1x128xf32, #tpu.memory_space<vmem>>, vector<1x128xf32>
    %get3A_23 = vector.shape_cast %get3A_22 : vector<1x128xf32> to vector<128xf32>
    %broadcast_in_dim3A = vector.shape_cast %get3A_23 : vector<128xf32> to vector<1x128xf32>
    %add3A_24 = vector.broadcast %broadcast_in_dim3A : vector<1x128xf32> to vector<2000x128xf32>
    %add3A_25 = arith.addf %add3A_19, %add3A_24 : vector<2000x128xf32>
    %max3A = arith.constant 0.000000e+00 : f32
    %max3A_26 = vector.broadcast %max3A : f32 to vector<2000x128xf32>
    %max3A_27 = arith.maximumf %add3A_25, %max3A_26 : vector<2000x128xf32>
    %add3A_28 = arith.addf %get3A_1, %max3A_27 : vector<2000x128xf32>
    %reduce_sum3A = arith.constant dense<0.000000e+00> : vector<2000xf32>
    %reduce_sum3A_29 = vector.multi_reduction <add>, %add3A_28, %reduce_sum3A [1] : vector<2000x128xf32> to vector<2000xf32>
    %broadcast_in_dim3A_30 = vector.shape_cast %reduce_sum3A_29 : vector<2000xf32> to vector<2000x1xf32>
    %div3A = arith.constant 1.280000e+02 : f32
    %div3A_31 = vector.broadcast %div3A : f32 to vector<2000x1xf32>
    %div3A_32 = arith.divf %broadcast_in_dim3A_30, %div3A_31 : vector<2000x1xf32>
    %sub3A = vector.broadcast %div3A_32 : vector<2000x1xf32> to vector<2000x128xf32>
    %sub3A_33 = arith.subf %add3A_28, %sub3A : vector<2000x128xf32>
    %mul3A = arith.mulf %sub3A_33, %sub3A_33 : vector<2000x128xf32>
    %reduce_sum3A_34 = arith.constant dense<0.000000e+00> : vector<2000xf32>
    %reduce_sum3A_35 = vector.multi_reduction <add>, %mul3A, %reduce_sum3A_34 [1] : vector<2000x128xf32> to vector<2000xf32>
    %broadcast_in_dim3A_36 = vector.shape_cast %reduce_sum3A_35 : vector<2000xf32> to vector<2000x1xf32>
    %div3A_37 = arith.constant 1.280000e+02 : f32
    %div3A_38 = vector.broadcast %div3A_37 : f32 to vector<2000x1xf32>
    %div3A_39 = arith.divf %broadcast_in_dim3A_36, %div3A_38 : vector<2000x1xf32>
    %add3A_40 = arith.constant 9.99999974E-6 : f32
    %add3A_41 = vector.broadcast %add3A_40 : f32 to vector<2000x1xf32>
    %add3A_42 = arith.addf %div3A_39, %add3A_41 : vector<2000x1xf32>
    %rsqrt3A = math.rsqrt %add3A_42 : vector<2000x1xf32>
    %mul3A_43 = vector.broadcast %rsqrt3A : vector<2000x1xf32> to vector<2000x128xf32>
    %mul3A_44 = arith.mulf %sub3A_33, %mul3A_43 : vector<2000x128xf32>
    %get3A_45 = arith.constant 0 : index
    %get3A_46 = arith.constant 0 : index
    %get3A_47 = vector.load %arg5[%get3A_45, %get3A_46] : memref<1x128xf32, #tpu.memory_space<vmem>>, vector<1x128xf32>
    %get3A_48 = vector.shape_cast %get3A_47 : vector<1x128xf32> to vector<128xf32>
    %broadcast_in_dim3A_49 = vector.shape_cast %get3A_48 : vector<128xf32> to vector<1x128xf32>
    %mul3A_50 = vector.broadcast %broadcast_in_dim3A_49 : vector<1x128xf32> to vector<2000x128xf32>
    %mul3A_51 = arith.mulf %mul3A_44, %mul3A_50 : vector<2000x128xf32>
    %get3A_52 = arith.constant 0 : index
    %get3A_53 = arith.constant 0 : index
    %get3A_54 = vector.load %arg6[%get3A_52, %get3A_53] : memref<1x128xf32, #tpu.memory_space<vmem>>, vector<1x128xf32>
    %get3A_55 = vector.shape_cast %get3A_54 : vector<1x128xf32> to vector<128xf32>
    %broadcast_in_dim3A_56 = vector.shape_cast %get3A_55 : vector<128xf32> to vector<1x128xf32>
    %add3A_57 = vector.broadcast %broadcast_in_dim3A_56 : vector<1x128xf32> to vector<2000x128xf32>
    %add3A_58 = arith.addf %mul3A_51, %add3A_57 : vector<2000x128xf32>
    %swap3A = arith.constant 0 : index
    %swap3A_59 = arith.constant 0 : index
    %swap3A_60 = vector.load %arg7[%swap3A, %swap3A_59] : memref<2000x128xf32, #tpu.memory_space<vmem>>, vector<2000x128xf32>
    tpu.vector_store %arg7[%swap3A, %swap3A_59], %add3A_58 {strides = array<i32>} : memref<2000x128xf32, #tpu.memory_space<vmem>>, vector<2000x128xf32>,
    return
  }
  func.func @transform_0(%arg0: i32) -> (i32, i32) {
    %c0_i32 = arith.constant 0 : i32
    %c0_i32_0 = arith.constant 0 : i32
    return %arg0, %c0_i32 : i32, i32
  }
  func.func @transform_1(%arg0: i32) -> (i32, i32, i32) {
    %c0_i32 = arith.constant 0 : i32
    %c0_i32_0 = arith.constant 0 : i32
    %c0_i32_1 = arith.constant 0 : i32
    return %c0_i32, %arg0, %c0_i32_0 : i32, i32, i32
  }
  func.func @transform_2(%arg0: i32) -> (i32, i32) {
    %c0_i32 = arith.constant 0 : i32
    %c0_i32_0 = arith.constant 0 : i32
    %c0_i32_1 = arith.constant 0 : i32
    return %c0_i32, %c0_i32_0 : i32, i32
  }
  func.func @transform_3(%arg0: i32) -> (i32, i32) {
    %c0_i32 = arith.constant 0 : i32
    %c0_i32_0 = arith.constant 0 : i32
    %c0_i32_1 = arith.constant 0 : i32
    return %c0_i32, %c0_i32_0 : i32, i32
  }
  func.func @transform_4(%arg0: i32) -> (i32, i32) {
    %c0_i32 = arith.constant 0 : i32
    %c0_i32_0 = arith.constant 0 : i32
    %c0_i32_1 = arith.constant 0 : i32
    return %c0_i32, %c0_i32_0 : i32, i32
  }
  func.func @transform_5(%arg0: i32) -> (i32, i32) {
    %c0_i32 = arith.constant 0 : i32
    %c0_i32_0 = arith.constant 0 : i32
    %c0_i32_1 = arith.constant 0 : i32
    return %c0_i32, %c0_i32_0 : i32, i32
  }
  func.func @transform_6(%arg0: i32) -> (i32, i32) {
    %c0_i32 = arith.constant 0 : i32
    %c0_i32_0 = arith.constant 0 : i32
    return %arg0, %c0_i32 : i32, i32
  }
}

module attributes {stable_mosaic.version = 14 : i64} {
  func.func @_msg_table_body(%arg0: i32, %arg1: memref<2000x128xf32, #tpu.memory_space<vmem>>, %arg2: memref<5x128x128xf32, #tpu.memory_space<vmem>>, %arg3: memref<5x1x128xf32, #tpu.memory_space<vmem>>, %arg4: memref<5x2000x128xf32, #tpu.memory_space<vmem>>) attributes {dimension_semantics = [#tpu.dimension_semantics<arbitrary>], iteration_bounds = array<i64: 5>, scalar_prefetch = 0 : i64, scratch_operands = 0 : i64, tpu.core_type = #tpu.core_type<tc>, window_params = [{transform_indices = @transform_0, window_bounds = array<i64: 2000, 128>}, {pipeline_mode = #tpu.pipeline_mode<synchronous>, transform_indices = @transform_1, window_bounds = array<i64: 5, 128, 128>}, {pipeline_mode = #tpu.pipeline_mode<synchronous>, transform_indices = @transform_2, window_bounds = array<i64: 5, 1, 128>}, {transform_indices = @transform_3, window_bounds = array<i64: 5, 2000, 128>}]} {
    %get3A = arith.constant 0 : index
    %get3A_0 = arith.constant 0 : index
    %get3A_1 = vector.load %arg1[%get3A, %get3A_0] : memref<2000x128xf32, #tpu.memory_space<vmem>>, vector<2000x128xf32>
    %get3A_2 = arith.constant 0 : index
    %get3A_3 = arith.constant 0 : index
    %get3A_4 = arith.constant 0 : index
    %get3A_5 = vector.load %arg2[%get3A_2, %get3A_3, %get3A_4] : memref<5x128x128xf32, #tpu.memory_space<vmem>>, vector<1x128x128xf32>
    %get3A_6 = vector.shape_cast %get3A_5 : vector<1x128x128xf32> to vector<128x128xf32>
    %dot_general3A = arith.constant dense<0.000000e+00> : vector<2000x128xf32>
    %dot_general3A_7 = tpu.matmul %get3A_1, %get3A_6, %dot_general3A {dimension_numbers = #tpu.dot_dimension_numbers<[1], [1], [0], [0], [0, 0, 1, 0], [], []>, transpose_lhs_hint = false} : vector<2000x128xf32>, vector<128x128xf32>, vector<2000x128xf32> -> vector<2000x128xf32>
    %get3A_8 = arith.constant 0 : index
    %get3A_9 = arith.constant 0 : index
    %get3A_10 = arith.constant 0 : index
    %get3A_11 = vector.load %arg3[%get3A_8, %get3A_9, %get3A_10] : memref<5x1x128xf32, #tpu.memory_space<vmem>>, vector<1x1x128xf32>
    %get3A_12 = vector.shape_cast %get3A_11 : vector<1x1x128xf32> to vector<128xf32>
    %broadcast_in_dim3A = vector.shape_cast %get3A_12 : vector<128xf32> to vector<1x128xf32>
    %add3A = vector.broadcast %broadcast_in_dim3A : vector<1x128xf32> to vector<2000x128xf32>
    %add3A_13 = arith.addf %dot_general3A_7, %add3A : vector<2000x128xf32>
    %swap3A = arith.constant 0 : index
    %swap3A_14 = arith.constant 0 : index
    %swap3A_15 = arith.constant 0 : index
    %swap3A_16 = vector.load %arg4[%swap3A, %swap3A_14, %swap3A_15] : memref<5x2000x128xf32, #tpu.memory_space<vmem>>, vector<1x2000x128xf32>
    %swap3A_17 = vector.shape_cast %swap3A_16 : vector<1x2000x128xf32> to vector<2000x128xf32>
    %swap3A_18 = vector.shape_cast %add3A_13 : vector<2000x128xf32> to vector<1x2000x128xf32>
    tpu.vector_store %arg4[%swap3A, %swap3A_14, %swap3A_15], %swap3A_18 {strides = array<i32>} : memref<5x2000x128xf32, #tpu.memory_space<vmem>>, vector<1x2000x128xf32>,
    %get3A_19 = arith.constant 1 : index
    %get3A_20 = arith.constant 0 : index
    %get3A_21 = arith.constant 0 : index
    %get3A_22 = vector.load %arg2[%get3A_19, %get3A_20, %get3A_21] : memref<5x128x128xf32, #tpu.memory_space<vmem>>, vector<1x128x128xf32>
    %get3A_23 = vector.shape_cast %get3A_22 : vector<1x128x128xf32> to vector<128x128xf32>
    %dot_general3A_24 = arith.constant dense<0.000000e+00> : vector<2000x128xf32>
    %dot_general3A_25 = tpu.matmul %get3A_1, %get3A_23, %dot_general3A_24 {dimension_numbers = #tpu.dot_dimension_numbers<[1], [1], [0], [0], [0, 0, 1, 0], [], []>, transpose_lhs_hint = false} : vector<2000x128xf32>, vector<128x128xf32>, vector<2000x128xf32> -> vector<2000x128xf32>
    %get3A_26 = arith.constant 1 : index
    %get3A_27 = arith.constant 0 : index
    %get3A_28 = arith.constant 0 : index
    %get3A_29 = vector.load %arg3[%get3A_26, %get3A_27, %get3A_28] : memref<5x1x128xf32, #tpu.memory_space<vmem>>, vector<1x1x128xf32>
    %get3A_30 = vector.shape_cast %get3A_29 : vector<1x1x128xf32> to vector<128xf32>
    %broadcast_in_dim3A_31 = vector.shape_cast %get3A_30 : vector<128xf32> to vector<1x128xf32>
    %add3A_32 = vector.broadcast %broadcast_in_dim3A_31 : vector<1x128xf32> to vector<2000x128xf32>
    %add3A_33 = arith.addf %dot_general3A_25, %add3A_32 : vector<2000x128xf32>
    %swap3A_34 = arith.constant 1 : index
    %swap3A_35 = arith.constant 0 : index
    %swap3A_36 = arith.constant 0 : index
    %swap3A_37 = vector.load %arg4[%swap3A_34, %swap3A_35, %swap3A_36] : memref<5x2000x128xf32, #tpu.memory_space<vmem>>, vector<1x2000x128xf32>
    %swap3A_38 = vector.shape_cast %swap3A_37 : vector<1x2000x128xf32> to vector<2000x128xf32>
    %swap3A_39 = vector.shape_cast %add3A_33 : vector<2000x128xf32> to vector<1x2000x128xf32>
    tpu.vector_store %arg4[%swap3A_34, %swap3A_35, %swap3A_36], %swap3A_39 {strides = array<i32>} : memref<5x2000x128xf32, #tpu.memory_space<vmem>>, vector<1x2000x128xf32>,
    %get3A_40 = arith.constant 2 : index
    %get3A_41 = arith.constant 0 : index
    %get3A_42 = arith.constant 0 : index
    %get3A_43 = vector.load %arg2[%get3A_40, %get3A_41, %get3A_42] : memref<5x128x128xf32, #tpu.memory_space<vmem>>, vector<1x128x128xf32>
    %get3A_44 = vector.shape_cast %get3A_43 : vector<1x128x128xf32> to vector<128x128xf32>
    %dot_general3A_45 = arith.constant dense<0.000000e+00> : vector<2000x128xf32>
    %dot_general3A_46 = tpu.matmul %get3A_1, %get3A_44, %dot_general3A_45 {dimension_numbers = #tpu.dot_dimension_numbers<[1], [1], [0], [0], [0, 0, 1, 0], [], []>, transpose_lhs_hint = false} : vector<2000x128xf32>, vector<128x128xf32>, vector<2000x128xf32> -> vector<2000x128xf32>
    %get3A_47 = arith.constant 2 : index
    %get3A_48 = arith.constant 0 : index
    %get3A_49 = arith.constant 0 : index
    %get3A_50 = vector.load %arg3[%get3A_47, %get3A_48, %get3A_49] : memref<5x1x128xf32, #tpu.memory_space<vmem>>, vector<1x1x128xf32>
    %get3A_51 = vector.shape_cast %get3A_50 : vector<1x1x128xf32> to vector<128xf32>
    %broadcast_in_dim3A_52 = vector.shape_cast %get3A_51 : vector<128xf32> to vector<1x128xf32>
    %add3A_53 = vector.broadcast %broadcast_in_dim3A_52 : vector<1x128xf32> to vector<2000x128xf32>
    %add3A_54 = arith.addf %dot_general3A_46, %add3A_53 : vector<2000x128xf32>
    %swap3A_55 = arith.constant 2 : index
    %swap3A_56 = arith.constant 0 : index
    %swap3A_57 = arith.constant 0 : index
    %swap3A_58 = vector.load %arg4[%swap3A_55, %swap3A_56, %swap3A_57] : memref<5x2000x128xf32, #tpu.memory_space<vmem>>, vector<1x2000x128xf32>
    %swap3A_59 = vector.shape_cast %swap3A_58 : vector<1x2000x128xf32> to vector<2000x128xf32>
    %swap3A_60 = vector.shape_cast %add3A_54 : vector<2000x128xf32> to vector<1x2000x128xf32>
    tpu.vector_store %arg4[%swap3A_55, %swap3A_56, %swap3A_57], %swap3A_60 {strides = array<i32>} : memref<5x2000x128xf32, #tpu.memory_space<vmem>>, vector<1x2000x128xf32>,
    %get3A_61 = arith.constant 3 : index
    %get3A_62 = arith.constant 0 : index
    %get3A_63 = arith.constant 0 : index
    %get3A_64 = vector.load %arg2[%get3A_61, %get3A_62, %get3A_63] : memref<5x128x128xf32, #tpu.memory_space<vmem>>, vector<1x128x128xf32>
    %get3A_65 = vector.shape_cast %get3A_64 : vector<1x128x128xf32> to vector<128x128xf32>
    %dot_general3A_66 = arith.constant dense<0.000000e+00> : vector<2000x128xf32>
    %dot_general3A_67 = tpu.matmul %get3A_1, %get3A_65, %dot_general3A_66 {dimension_numbers = #tpu.dot_dimension_numbers<[1], [1], [0], [0], [0, 0, 1, 0], [], []>, transpose_lhs_hint = false} : vector<2000x128xf32>, vector<128x128xf32>, vector<2000x128xf32> -> vector<2000x128xf32>
    %get3A_68 = arith.constant 3 : index
    %get3A_69 = arith.constant 0 : index
    %get3A_70 = arith.constant 0 : index
    %get3A_71 = vector.load %arg3[%get3A_68, %get3A_69, %get3A_70] : memref<5x1x128xf32, #tpu.memory_space<vmem>>, vector<1x1x128xf32>
    %get3A_72 = vector.shape_cast %get3A_71 : vector<1x1x128xf32> to vector<128xf32>
    %broadcast_in_dim3A_73 = vector.shape_cast %get3A_72 : vector<128xf32> to vector<1x128xf32>
    %add3A_74 = vector.broadcast %broadcast_in_dim3A_73 : vector<1x128xf32> to vector<2000x128xf32>
    %add3A_75 = arith.addf %dot_general3A_67, %add3A_74 : vector<2000x128xf32>
    %swap3A_76 = arith.constant 3 : index
    %swap3A_77 = arith.constant 0 : index
    %swap3A_78 = arith.constant 0 : index
    %swap3A_79 = vector.load %arg4[%swap3A_76, %swap3A_77, %swap3A_78] : memref<5x2000x128xf32, #tpu.memory_space<vmem>>, vector<1x2000x128xf32>
    %swap3A_80 = vector.shape_cast %swap3A_79 : vector<1x2000x128xf32> to vector<2000x128xf32>
    %swap3A_81 = vector.shape_cast %add3A_75 : vector<2000x128xf32> to vector<1x2000x128xf32>
    tpu.vector_store %arg4[%swap3A_76, %swap3A_77, %swap3A_78], %swap3A_81 {strides = array<i32>} : memref<5x2000x128xf32, #tpu.memory_space<vmem>>, vector<1x2000x128xf32>,
    %get3A_82 = arith.constant 4 : index
    %get3A_83 = arith.constant 0 : index
    %get3A_84 = arith.constant 0 : index
    %get3A_85 = vector.load %arg2[%get3A_82, %get3A_83, %get3A_84] : memref<5x128x128xf32, #tpu.memory_space<vmem>>, vector<1x128x128xf32>
    %get3A_86 = vector.shape_cast %get3A_85 : vector<1x128x128xf32> to vector<128x128xf32>
    %dot_general3A_87 = arith.constant dense<0.000000e+00> : vector<2000x128xf32>
    %dot_general3A_88 = tpu.matmul %get3A_1, %get3A_86, %dot_general3A_87 {dimension_numbers = #tpu.dot_dimension_numbers<[1], [1], [0], [0], [0, 0, 1, 0], [], []>, transpose_lhs_hint = false} : vector<2000x128xf32>, vector<128x128xf32>, vector<2000x128xf32> -> vector<2000x128xf32>
    %get3A_89 = arith.constant 4 : index
    %get3A_90 = arith.constant 0 : index
    %get3A_91 = arith.constant 0 : index
    %get3A_92 = vector.load %arg3[%get3A_89, %get3A_90, %get3A_91] : memref<5x1x128xf32, #tpu.memory_space<vmem>>, vector<1x1x128xf32>
    %get3A_93 = vector.shape_cast %get3A_92 : vector<1x1x128xf32> to vector<128xf32>
    %broadcast_in_dim3A_94 = vector.shape_cast %get3A_93 : vector<128xf32> to vector<1x128xf32>
    %add3A_95 = vector.broadcast %broadcast_in_dim3A_94 : vector<1x128xf32> to vector<2000x128xf32>
    %add3A_96 = arith.addf %dot_general3A_88, %add3A_95 : vector<2000x128xf32>
    %swap3A_97 = arith.constant 4 : index
    %swap3A_98 = arith.constant 0 : index
    %swap3A_99 = arith.constant 0 : index
    %swap3A_100 = vector.load %arg4[%swap3A_97, %swap3A_98, %swap3A_99] : memref<5x2000x128xf32, #tpu.memory_space<vmem>>, vector<1x2000x128xf32>
    %swap3A_101 = vector.shape_cast %swap3A_100 : vector<1x2000x128xf32> to vector<2000x128xf32>
    %swap3A_102 = vector.shape_cast %add3A_96 : vector<2000x128xf32> to vector<1x2000x128xf32>
    tpu.vector_store %arg4[%swap3A_97, %swap3A_98, %swap3A_99], %swap3A_102 {strides = array<i32>} : memref<5x2000x128xf32, #tpu.memory_space<vmem>>, vector<1x2000x128xf32>,
    return
  }
  func.func @transform_0(%arg0: i32) -> (i32, i32) {
    %c0_i32 = arith.constant 0 : i32
    %c0_i32_0 = arith.constant 0 : i32
    return %arg0, %c0_i32 : i32, i32
  }
  func.func @transform_1(%arg0: i32) -> (i32, i32, i32) {
    %c0_i32 = arith.constant 0 : i32
    %c0_i32_0 = arith.constant 0 : i32
    %c0_i32_1 = arith.constant 0 : i32
    %c0_i32_2 = arith.constant 0 : i32
    return %c0_i32, %c0_i32_0, %c0_i32_1 : i32, i32, i32
  }
  func.func @transform_2(%arg0: i32) -> (i32, i32, i32) {
    %c0_i32 = arith.constant 0 : i32
    %c0_i32_0 = arith.constant 0 : i32
    %c0_i32_1 = arith.constant 0 : i32
    %c0_i32_2 = arith.constant 0 : i32
    return %c0_i32, %c0_i32_0, %c0_i32_1 : i32, i32, i32
  }
  func.func @transform_3(%arg0: i32) -> (i32, i32, i32) {
    %c0_i32 = arith.constant 0 : i32
    %c0_i32_0 = arith.constant 0 : i32
    %c0_i32_1 = arith.constant 0 : i32
    return %c0_i32, %arg0, %c0_i32_0 : i32, i32, i32
  }
}

</mosaic_0001>

<sc_bundles>
// kernel: kernel.5.cloned.1.call-start
scs
__scs_entry_jumppad:
0x0: {  	(pc) =	sbr.rel $0x88, $3  }
0x1: {  	(tag) =	ssettag $0x0;
	lr =	simm.s32 $0x1  }
0x2: {  	[smem:$0x3F98] =	sst lr;
	_ =	strace $0xD0000000  }
0x3: {  	_ = 	snop  }
0x4: {  	_ = 	snop  }
0x5: {  	_ = 	snop  }
0x6: {  	_ = 	snop  }
0x7: {  	_ = 	snop  }
__scs_overlays_trampoline_lowered:
0x8: {  	[smem:$0x3FA7] =	sst s0  }
0x9: {  	[smem:$0x3FA8] =	sst s1  }
0xa: {  	[smem:$0x3FA9] =	sst s2  }
0xb: {  	[smem:$0x3FAA] =	sst s3  }
0xc: {  	[smem:$0x3FAB] =	sst s4  }
0xd: {  	[smem:$0x3FAC] =	sst s5  }
0xe: {  	[smem:$0x3FAD] =	sst s6  }
0xf: {  	[smem:$0x3FAE] =	sst s7  }
0x10: {  	[smem:$0x3FAF] =	sst s8  }
0x11: {  	[smem:$0x3FB0] =	sst s9;
	s0 =	simm.s32 @!p0 $0x0  }
0x12: {  	s1 =	sld [smem:$0x3F96];
	s0 =	simm.s32 @p0 $0x1  }
0x13: {  	[smem:$0x3FB1] =	sst s0;
	s0 =	simm.s32 @!p1 $0x0  }
0x14: {  	s2 =	sld [smem:$0x3F95];
	s0 =	simm.s32 @p1 $0x1  }
0x15: {  	[smem:$0x3FB2] =	sst s0;
	s0 =	simm.s32 @!p2 $0x0  }
0x16: {  	s3 =	sld [smem:$0x3FDB];
	s0 =	simm.s32 @p2 $0x1  }
0x17: {  	s4 =	simm.s32 $0x1BF5;
	[smem:$0x3FB4] =	sst s0  }
0x18: {  	s0 =	sld [smem:$0x3F97];
	_ =	swait.ge [sflag:s4], $0x0  }
0x19: {  	s7 =	sld [smem:$0x3F98]  }
0x1a: {  	s8 =	sadd.s32 $0xFFFFE003, lr  }
0x1b: {  	s9 =	sadd.s32 $0xFFFFFEF7, lr;
	s5 =	simm.s32 $0xFFFFFFFF;
	p2 =	slt.u32 s8, $0xFFFFF086  }
0x1c: {  	p1 =	slt.u32 s9, $0xF7A;
	s5 =	simm.s32 @!p2 $0x0  }
0x1d: {  	s5 =	simm.s32 @p1 $0x1;
	p0 =	seq.s32 s7, s2  }
0x1e: {  	s7 =	smul.u32 @!p0 $0xF7A, s2;
	p2 =	seq.s32 @!p0 s5, $0x0  }
0x1f: {  	s9 =	smul.u32 $0xF7A, s1;
	s8 =	simm.s32 @!p0 $0x1BF5;
	p2 =	por !p2, p0  }
0x20: {  	[sflag:s8] =	ssyncset.s32 @!p0 $0xFFFFF086;
	s6 =	sadd.s32 @!p0 s3, s7;
	s7 =	simm.s32 @!p0 $0x108  }
0x21: {  	s3 =	sadd.s32 s3, s9;
	s6 =	sadd.s32 @!p0 $0x88, s6;
	s7 =	simm.s32 @p2 $0x1082  }
0x22: {  	[simem:s7], [sflag:s8] =	dma.local @!p0 [hbm:s6], $0xF7A  }
0x23: {  	s9 =	sor.u32 $0xD0000000, s2;
	s6 =	simm.s32 $0x108;
	_ =	swait.ge @!p0 [sflag:s8], $0x0  }
0x24: {  	s3 =	sadd.s32 $0x88, s3;
	s6 =	simm.s32 @!p1 $0x1082;
	[sflag:s4] =	ssyncset.s32 $0xFFFFF086  }
0x25: {  	[simem:s6], [sflag:s4] =	dma.local [hbm:s3], $0xF7A  }
0x26: {  	[smem:$0x3F98] =	sst s1;
	(tag) =	ssettag s2;
	_ =	strace s9  }
0x27: {  	s1 =	sld [smem:$0x3FA8]  }
0x28: {  	s2 =	sld [smem:$0x3FA9]  }
0x29: {  	s4 =	sld [smem:$0x3FAB]  }
0x2a: {  	p0 =	seq.s32 s5, $0x0;
	s5 =	sld [smem:$0x3FAC]  }
0x2b: {  	s6 =	sld [smem:$0x3FAD]  }
0x2c: {  	s7 =	sld [smem:$0x3FAE]  }
0x2d: {  	s3 =	simm.s32 $0x108;
	s8 =	sld [smem:$0x3FAF]  }
0x2e: {  	s3 =	simm.s32 @!p0 $0x1082;
	s9 =	sld [smem:$0x3FB0]  }
0x2f: {  	lr =	sadd.s32 s0, s3;
	s0 =	sld [smem:$0x3FA7]  }
0x30: {  	s3 =	sld [smem:$0x3FAA]  }
0x31: {  	[smem:$0x3FB3] =	sst s10  }
0x32: {  	s10 =	sld [smem:$0x3FB1];
	_ =	sdelay $0x3  }
0x33: {  	p0 =	seq.s32 s10, $0x1;
	s10 =	sld [smem:$0x3FB3];
	_ =	sdelay $0x3  }
0x34: {  	[smem:$0x3FB3] =	sst s10  }
0x35: {  	s10 =	sld [smem:$0x3FB2];
	_ =	sdelay $0x3  }
0x36: {  	p1 =	seq.s32 s10, $0x1;
	s10 =	sld [smem:$0x3FB3];
	_ =	sdelay $0x3  }
0x37: {  	[smem:$0x3FB3] =	sst s10  }
0x38: {  	s10 =	sld [smem:$0x3FB4]  }
0x39: {  	_ = 	snop;
	(pc) =	sbr.ind lr, $3  }
0x3a: {  	_ = 	snop  }
0x3b: {  	_ = 	snop  }
0x3c: {  	p2 =	seq.s32 s10, $0x1;
	s10 =	sld [smem:$0x3FB3]  }
0x3d: {  	_ =	shalt  }
0x3e: {  	_ =	shalt  }
0x3f: {  	_ =	shalt  }
0x40: {  	_ =	shalt  }
0x41: {  	_ =	shalt  }
0x42: {  	_ =	shalt  }
0x43: {  	_ =	shalt  }
0x44: {  	_ =	shalt  }
0x45: {  	_ =	shalt  }
0x46: {  	_ =	shalt  }
0x47: {  	_ =	shalt  }
0x48: {  	_ =	shalt  }
0x49: {  	_ =	shalt  }
0x4a: {  	_ =	shalt  }
0x4b: {  	_ =	shalt  }
0x4c: {  	_ =	shalt  }
0x4d: {  	_ =	shalt  }
0x4e: {  	_ =	shalt  }
0x4f: {  	_ =	shalt  }
0x50: {  	_ =	shalt  }
0x51: {  	_ =	shalt  }
0x52: {  	_ =	shalt  }
0x53: {  	_ =	shalt  }
0x54: {  	_ =	shalt  }
0x55: {  	_ =	shalt  }
0x56: {  	_ =	shalt  }
0x57: {  	_ =	shalt  }
0x58: {  	_ =	shalt  }
0x59: {  	_ =	shalt  }
0x5a: {  	_ =	shalt  }
0x5b: {  	_ =	shalt  }
0x5c: {  	_ =	shalt  }
0x5d: {  	_ =	shalt  }
0x5e: {  	_ =	shalt  }
0x5f: {  	_ =	shalt  }
0x60: {  	_ =	shalt  }
0x61: {  	_ =	shalt  }
0x62: {  	_ =	shalt  }
0x63: {  	_ =	shalt  }
0x64: {  	_ =	shalt  }
0x65: {  	_ =	shalt  }
0x66: {  	_ =	shalt  }
0x67: {  	_ =	shalt  }
0x68: {  	_ =	shalt  }
0x69: {  	_ =	shalt  }
0x6a: {  	_ =	shalt  }
0x6b: {  	_ =	shalt  }
0x6c: {  	_ =	shalt  }
0x6d: {  	_ =	shalt  }
0x6e: {  	_ =	shalt  }
0x6f: {  	_ =	shalt  }
0x70: {  	_ =	shalt  }
0x71: {  	_ =	shalt  }
0x72: {  	_ =	shalt  }
0x73: {  	_ =	shalt  }
0x74: {  	_ =	shalt  }
0x75: {  	_ =	shalt  }
0x76: {  	_ =	shalt  }
0x77: {  	_ =	shalt  }
0x78: {  	_ =	shalt  }
0x79: {  	_ =	shalt  }
0x7a: {  	_ =	shalt  }
0x7b: {  	_ =	shalt  }
0x7c: {  	_ =	shalt  }
0x7d: {  	_ =	shalt  }
0x7e: {  	_ =	shalt  }
0x7f: {  	_ =	shalt  }
0x80: {  	_ =	shalt  }
0x81: {  	_ =	shalt  }
0x82: {  	_ =	shalt  }
0x83: {  	_ =	shalt  }
0x84: {  	_ =	shalt  }
0x85: {  	_ =	shalt  }
0x86: {  	_ =	shalt  }
0x87: {  	_ =	shalt  }
.Lfunc_end0:
.L_simem_size_0:
called_computation_lowered:
.L_overlay_start_0:
0x88: {  	s2 =	sld [smem:$0x3FD9]  }
0x89: {  	s3 =	sld [smem:$0x3FFE];
	_ =	sdelay $0x1  }
0x8a: {  	s1 =	srdreg.scid  }
0x8b: {  	s0 =	sand.u32 $0x1, s1  }
0x8c: {  	s17 =	sshll.u32 s0, $0xA;
	s2 =	sadd.s32 s3, s2  }
0x8d: {  	s2 =	sadd.s32 s2, s17  }
0x8e: {  	[smem:$0x3FBF] =	sst s2  }
0x8f: {  	_ = 	snop  }
0x90: {  	s2 =	sld [smem:$0x3FC8]  }
0x91: {  	s18 =	sld [smem:$0x3FC7]  }
0x92: {  	s4 =	sld [smem:$0x3FD0];
	(tm) =	ssettm $0x1  }
0x93: {  	s5 =	sld [smem:$0x3FFB];
	_ =	sdelay $0x3  }
0x94: {  	_ =	strace s5  }
0x95: {  	s5 =	sld [smem:$0x3FFC];
	_ =	sdelay $0x3  }
0x96: {  	_ =	strace s5  }
0x97: {  	s5 =	sld [smem:$0x3FFD];
	_ =	sdelay $0x3  }
0x98: {  	_ =	strace s5  }
0x99: {  	_ =	strace $0x8FFFFFFF  }
0x9a: {  	s19 =	sld [smem:$0x3FDB];
	_ =	sdelay $0x1  }
0x9b: {  	s6 =	simm.s32 $_scs_section_size  }
0x9c: {  	s7 =	simm.s32 $_size__tile_overlayer_lowered;
	s8 =	simm.s32 $_tile_overlayer_lowered  }
0x9d: {  	s22 =	simm.s32 $0x1BFF;
	s21 =	sshll.u32 s8, $0x1;
	s5 =	sadd.s32 s6, s19  }
0x9e: {  	s9 =	simm.s32 $0x0;
	s20 =	sshll.u32 s7, $0x1;
	s7 =	sadd.s32 s21, s5  }
0x9f: {  	[timem:s9], [sflag:s22] =	dma.local [hbm:s7], s20  }
0xa0: {  	_ =	swait.ge [sflag:s22], s20  }
0xa1: {  	s6 =	ssub.s32 $0x0, s20;
	[sflag:s22] =	ssyncset.done $0x0  }
0xa2: {  	[sflag:s22] =	ssyncadd.s32 s6;
	_ =	sdelay $0x1  }
0xa3: {  	s23 =	simm.s32 $0x1B8B  }
0xa4: {  	_ =	swait.ge [sflag:s23], $0x1  }
0xa5: {  	[sflag:s23] =	ssyncset.done $0x0  }
0xa6: {  	s25 =	simm.s32 $0x1B8E;
	s24 =	sld [smem:$0x3FFE];
	[sflag:s23] =	ssyncadd.s32 $0xFFFFFFFF  }
0xa7: {  	s26 =	simm.s32 $execute0_lowered;
	[smem:$0x3FD2] =	sst s25  }
0xa8: {  	s7 =	sshll.u32 s26, $0x1;
	_ =	strace $0x80000046;
	[dreg:$0x1] =	wrdreg $0xFFFFFFFF  }
0xa9: {  	s28 =	simm.s32 $_size_execute0_lowered;
	s5 =	sadd.s32 s5, s7;
	[dreg:$0x0] =	wrdreg $0x0  }
0xaa: {  	s7 =	sshll.u32 s28, $0x1;
	[dreg:$0x2] =	wrdreg s5  }
0xab: {  	[dreg:$0x3] =	wrdreg s7  }
0xac: {  	[dreg:$0x4] =	wrdreg $0xC0  }
0xad: {  	_ =	task [dreg:s9], $0x5FFFF  }
0xae: {  	[dreg:$0x1] =	wrdreg $0xFFFFFFFF  }
0xaf: {  	[dreg:$0x0] =	wrdreg $0x60  }
0xb0: {  	[dreg:$0x2] =	wrdreg s24  }
0xb1: {  	[dreg:$0x3] =	wrdreg s2  }
0xb2: {  	[dreg:$0x4] =	wrdreg s18  }
0xb3: {  	[dreg:$0x5] =	wrdreg s4  }
0xb4: {  	[dreg:$0x6] =	wrdreg $0x89000  }
0xb5: {  	[dreg:$0x7] =	wrdreg $0x9  }
0xb6: {  	_ =	task.clear_ibuf [dreg:s9], $0x8FFFF;
	_ =	strace $0x90000046  }
0xb7: {  	s29 =	simm.s32 $0x9;
	_ =	strace $0x80000048  }
0xb8: {  	_ =	swait.ge [sflag:s29], $0x1  }
0xb9: {  	[sflag:s29] =	ssyncadd.s32 $0xFFFFFFFF  }
0xba: {  	_ =	strace $0x90000048  }
0xbb: {  	_ =	sfence  }
0xbc: {  	s30 =	sld [smem:$0x0];
	_ =	sdelay $0x2  }
0xbd: {  	s31 =	sshll.u32 s1, $0xD;
	s1 =	sshrl.u32 s1, $0x2  }
0xbe: {  	s3 =	sand.u32 $0x4000, s31;
	s1 =	sadd.s32 s1, s30  }
0xbf: {  	s0 =	sor.u32 s3, s0;
	s1 =	sshll.u32 s1, $0x11  }
0xc0: {  	s0 =	sor.u32 s1, s0  }
0xc1: {  	s0 =	sadd.s32 $0x8F2B, s0  }
0xc2: {  	[sflag:s0] =	ssyncadd.remote.s32 $0x1  }
0xc3: {  	_ =	sfence.sel $0xFFFF  }
0xc4: {  	[dreg:$0x0] =	wrdreg $0xFFFFFFFF;
	(pc) =	sbr.abs _section_cstart, $3  }
0xc5: {  	[dreg:$0x1] =	wrdreg $0xFFFFFFFF  }
0xc6: {  	_ =	task.clear_ibuf [dreg:s9], $0x2FFFF;
	_ =	strace $0x9FFFFFFF  }
0xc7: {  	(tm) =	ssettm $0x7FFFFFFF  }
tec
execute0_lowered:
.L_overlay_start_1:
0x0: {  	(tag) =	ssettag $0x1  }
0x1: {  	s0 =	rddreg [dreg:$0x0]  }
0x2: {  	s1 =	rddreg [dreg:$0x1]  }
0x3: {  	s2 =	rddreg [dreg:$0x2]  }
0x4: {  	s4 =	rddreg [dreg:$0x4];
	s3 =	srdreg.scid;
	s5 =	simm.s32 $0x0  }
0x5: {  	s21 =	simm.s32 $0x880;
	s24 =	simm.s32 $0x900;
	s25 =	simm.s32 $0x2900  }
0x6: {  	s26 =	simm.s32 $0x4900;
	s29 =	simm.s32 $0x40;
	s30 =	simm.s32 $0x6900  }
0x7: {  	s31 =	simm.s32 $0x1;
	s28 =	simm.s32 $0x4;
	s3 =	sand.u32 $0x1, s3  }
0x8: {  	[smem:$0x7FF] =	sst s5;
	s5 =	stileid.u32;
	s7 =	sadd.s32 $0x1A00, s0  }
0x9: {  	s0 =	sadd.s32 $0xC5000, s0;
	s11 =	sadd.s32 $0x124800, s4;
	s6 =	ssub.s32 $0x2, s3  }
0xa: {  	_ =	strace $0x80000047;
	s9 =	smul.u32 $0x4E000, s5;
	[dreg:$0x6] =	wrdreg s21  }
0xb: {  	s16 =	sshll.u32 s3, $0x4;
	s3 =	smul.u32 $0x138800, s3;
	[dreg:$0x7] =	wrdreg s24  }
0xc: {  	s10 =	smul.u32 $0x13800, s5;
	p0 =	seq.s32 s5, $0xF;
	[dreg:$0x8] =	wrdreg s25  }
0xd: {  	[dreg:$0x9] =	wrdreg s26;
	s25 =	simm.s32 $0xD;
	s8 =	sshrl.u32 s6, $0x1  }
0xe: {  	s26 =	simm.s32 $0x3;
	s6 =	ssub.s32 s6, s8;
	s9 =	sshrl.u32 s9, $0x2  }
0xf: {  	s8 =	sor.u32 s5, s16;
	s17 =	sadd.s32 s10, s3;
	s10 =	sadd.s32 $0x10, s1  }
0x10: {  	s3 =	sshrl.u32 s3, $0x3;
	s9 =	sadd.s32 s9, s4;
	s12 =	sshll.u32 s8, $0x6  }
0x11: {  	s13 =	sshll.u32 s8, $0x5;
	s19 =	smax.u32 s6, $0x1;
	s20 =	ssub.s32 $0x501, s8  }
0x12: {  	s16 =	sor.u32 $0x20, s8;
	s14 =	sadd.s32 s1, s12;
	[dreg:$0xf] =	wrdreg s19  }
0x13: {  	s13 =	sadd.s32 s2, s13;
	s12 =	sadd.s32 s12, s10;
	[dreg:$0xa] =	wrdreg s14  }
0x14: {  	s23 =	sshll.u32 s16, $0x6;
	[dreg:$0xb] =	wrdreg s13;
	s13 =	sshrl.u32 s17, $0x3  }
0x15: {  	[dreg:$0xc] =	wrdreg s12;
	s18 =	sadd.s32 s0, s13;
	s0 =	sadd.s32 s0, s3  }
0x16: {  	s22 =	sshrl.u32 @!p0 s9, $0x3;
	[dreg:$0xd] =	wrdreg s18;
	s0 =	sadd.s32 $0x24900, s0  }
0x17: {  	s9 =	simm.s32 $0x8;
	[dreg:$0xe] =	wrdreg s0;
	s0 =	sshrl.u32 s20, $0x5  }
0x18: {  	s12 =	sshll.u32 s16, $0x5;
	[dreg:$0x10] =	wrdreg s0;
	s0 =	sshll.u32 @!p0 s5, $0x6  }
0x19: {  	s20 =	sshrl.u32 @p0 s11, $0x3;
	[dreg:$0x11] =	wrdreg s0;
	s0 =	sor.u32 @!p0 $0x1C0C, s0  }
0x1a: {  	s11 =	simm.s32 $0x0;
	[dreg:$0x12] =	wrdreg s0;
	s0 =	simm.s32 $0x2  }
.LBB2_1:
0x1b: {  	s13 =	simm.s32 @p0 $0x1FCC;
	s3 =	rddreg [dreg:$0x3]  }
0x1c: {  	[spmem:s20], [sflag:s13] =	dma.local @p0 [hbm:s3], $0x2800  }
0x1d: {  	s15 =	simm.s32 $0x0;
	s6 =	rddreg [dreg:$0x12]  }
0x1e: {  	[spmem:s22], [sflag:s6] =	dma.local @!p0 [hbm:s3], $0x2700  }
0x1f: {  	s8 =	simm.s32 $0x80;
	s17 =	simm.s32 $0x100;
	s6 =	rddreg [dreg:$0xa]  }
0x20: {  	[tilespmem:s15], [sflag:$0xD] =	stream.strided.gather [hbm4b:s6+s8], $0x100, s17, s8, $0x38;
	[tilespmem:$0x1C180] =	vst v63  }
0x21: {  	_ =	swait.ge [sflag:s25], $0x100  }
0x22: {  	[sflag:s25] =	ssyncset.done $0x0  }
0x23: {  	s14 =	simm.s32 $0x500;
	s18 =	rddreg [dreg:$0xb];
	[sflag:s25] =	ssyncadd.s32 $0xFFFFFF00  }
0x24: {  	[tilespmem:s14], [sflag:$0xD] =	stream.linear.gather [hbm4b:s18+s15], $0x100, $0x38;
	[tilespmem:$0x1C180] =	vst v63  }
0x25: {  	_ =	swait.ge [sflag:s25], $0x100  }
0x26: {  	[sflag:s25] =	ssyncset.done $0x0  }
0x27: {  	s21 =	simm.s32 $0x600;
	s19 =	rddreg [dreg:$0xc];
	[sflag:s25] =	ssyncadd.s32 $0xFFFFFF00  }
0x28: {  	[tilespmem:s21], [sflag:$0xD] =	stream.strided.gather [hbm4b:s19+s8], $0x100, s17, s8, $0x38;
	[tilespmem:$0x1C180] =	vst v63  }
0x29: {  	_ =	swait.ge [sflag:s25], $0x100  }
0x2a: {  	s24 =	rddreg [dreg:$0x10]  }
0x2b: {  	s24 =	sadd.s32 $0xFFFFFFFF, s24  }
0x2c: {  	p2 =	sne.s32 s24, $0x0  }
.Ltmp0:
0x2d: {  	_ = 	snop;
	(pc) =	sbr.rel @!p2 .LBB2_5-.Ltmp0, $3  }
0x2e: {  	_ =	sdelay $0x1  }
0x2f: {  	p1 =	por $0x0, $0x0;
	s14 =	simm.s32 $0x0;
	[sflag:s25] =	ssyncset.done $0x0  }
0x30: {  	s18 =	smov.u32 s12;
	s17 =	smov.u32 s23;
	[sflag:s25] =	ssyncadd.s32 $0xFFFFFF00  }
0x31: {  	p1 =	por $0x1, $0x1  }
0x32: {  	s13 =	simm.s32 @!p1 $0x9  }
0x33: {  	_ =	swait.ge @!p1 [sflag:s13], $0x100  }
0x34: {  	[sflag:s13] =	ssyncset.done @!p1 $0x0  }
0x35: {  	s14 =	simm.s32 @!p1 $0xB;
	[sflag:s13] =	ssyncadd.s32 @!p1 $0xFFFFFF00  }
0x36: {  	_ =	swait.ge @!p1 [sflag:s14], $0x100  }
0x37: {  	[sflag:s14] =	ssyncset.done @!p1 $0x0  }
0x38: {  	s13 =	simm.s32 @!p1 $0xA;
	[sflag:s14] =	ssyncadd.s32 @!p1 $0xFFFFFF00  }
0x39: {  	_ =	swait.ge @!p1 [sflag:s13], $0x100  }
0x3a: {  	[sflag:s13] =	ssyncset.done @!p1 $0x0  }
0x3b: {  	[sflag:s13] =	ssyncadd.s32 @!p1 $0xFFFFFF00  }
0x3c: {  	v0 =	vld [tilespmem:$0x500];
	_ =	sdelay $0x1  }
0x3d: {  	v1 =	vld [tilespmem:$0x0];
	_ =	sdelay $0x1  }
0x3e: {  	s3 =	simm.s32 $0x0;
	v2 =	vld [tilespmem:$0x600]  }
0x3f: {  	s13 =	sand.u32 $0xFFFFFFFE, s3;
	v0 =	vmul.u32 $0x2710, v0  }
0x40: {  	s13 =	ssub.s32 $0x0, s13  }
0x41: {  	s13 =	sshll.u32 s13, $0xB;
	v0 =	vadd.s32 v1, v0  }
0x42: {  	s13 =	sshra.s32 s13, $0x2;
	[tilespmem:$0x700] =	vst v0  }
0x43: {  	[tilespmem:s13+$0x100] =	vst v2  }
0x44: {  	v34 =	vld [tilespmem:$0x510];
	_ =	sdelay $0x1  }
0x45: {  	v35 =	vld [tilespmem:$0x10];
	_ =	sdelay $0x1  }
0x46: {  	v2 =	vld [tilespmem:$0x610]  }
0x47: {  	v0 =	vmul.u32 $0x2710, v34;
	_ =	sdelay $0x1  }
0x48: {  	v0 =	vadd.s32 v35, v0  }
0x49: {  	[tilespmem:$0x710] =	vst v0  }
0x4a: {  	[tilespmem:s13+$0x110] =	vst v2  }
0x4b: {  	v36 =	vld [tilespmem:$0x520];
	_ =	sdelay $0x1  }
0x4c: {  	v37 =	vld [tilespmem:$0x20];
	_ =	sdelay $0x1  }
0x4d: {  	v2 =	vld [tilespmem:$0x620]  }
0x4e: {  	v0 =	vmul.u32 $0x2710, v36;
	_ =	sdelay $0x1  }
0x4f: {  	v0 =	vadd.s32 v37, v0  }
0x50: {  	[tilespmem:$0x720] =	vst v0  }
0x51: {  	[tilespmem:s13+$0x120] =	vst v2  }
0x52: {  	v38 =	vld [tilespmem:$0x530];
	_ =	sdelay $0x1  }
0x53: {  	v39 =	vld [tilespmem:$0x30];
	_ =	sdelay $0x1  }
0x54: {  	v2 =	vld [tilespmem:$0x630]  }
0x55: {  	v0 =	vmul.u32 $0x2710, v38;
	_ =	sdelay $0x1  }
0x56: {  	v0 =	vadd.s32 v39, v0  }
0x57: {  	[tilespmem:$0x730] =	vst v0  }
0x58: {  	[tilespmem:s13+$0x130] =	vst v2  }
0x59: {  	v40 =	vld [tilespmem:$0x540];
	_ =	sdelay $0x1  }
0x5a: {  	v41 =	vld [tilespmem:$0x40];
	_ =	sdelay $0x1  }
0x5b: {  	v2 =	vld [tilespmem:$0x640]  }
0x5c: {  	v0 =	vmul.u32 $0x2710, v40;
	_ =	sdelay $0x1  }
0x5d: {  	v0 =	vadd.s32 v41, v0  }
0x5e: {  	[tilespmem:$0x780] =	vst v0  }
0x5f: {  	[tilespmem:s13+$0x180] =	vst v2  }
0x60: {  	v42 =	vld [tilespmem:$0x550];
	_ =	sdelay $0x1  }
0x61: {  	v43 =	vld [tilespmem:$0x50];
	_ =	sdelay $0x1  }
0x62: {  	v2 =	vld [tilespmem:$0x650]  }
0x63: {  	v0 =	vmul.u32 $0x2710, v42;
	_ =	sdelay $0x1  }
0x64: {  	v0 =	vadd.s32 v43, v0  }
0x65: {  	[tilespmem:$0x790] =	vst v0  }
0x66: {  	[tilespmem:s13+$0x190] =	vst v2  }
0x67: {  	v44 =	vld [tilespmem:$0x560];
	_ =	sdelay $0x1  }
0x68: {  	v45 =	vld [tilespmem:$0x60];
	_ =	sdelay $0x1  }
0x69: {  	v2 =	vld [tilespmem:$0x660]  }
0x6a: {  	v0 =	vmul.u32 $0x2710, v44;
	_ =	sdelay $0x1  }
0x6b: {  	v0 =	vadd.s32 v45, v0  }
0x6c: {  	[tilespmem:$0x7A0] =	vst v0  }
0x6d: {  	[tilespmem:s13+$0x1A0] =	vst v2  }
0x6e: {  	v46 =	vld [tilespmem:$0x570];
	_ =	sdelay $0x1  }
0x6f: {  	v47 =	vld [tilespmem:$0x70];
	_ =	sdelay $0x1  }
0x70: {  	v2 =	vld [tilespmem:$0x670]  }
0x71: {  	v0 =	vmul.u32 $0x2710, v46;
	_ =	sdelay $0x1  }
0x72: {  	v0 =	vadd.s32 v47, v0  }
0x73: {  	[tilespmem:$0x7B0] =	vst v0  }
0x74: {  	[tilespmem:s13+$0x1B0] =	vst v2  }
0x75: {  	v48 =	vld [tilespmem:$0x580];
	_ =	sdelay $0x1  }
0x76: {  	v49 =	vld [tilespmem:$0x80];
	_ =	sdelay $0x1  }
0x77: {  	v2 =	vld [tilespmem:$0x680]  }
0x78: {  	v0 =	vmul.u32 $0x2710, v48;
	_ =	sdelay $0x1  }
0x79: {  	v0 =	vadd.s32 v49, v0  }
0x7a: {  	[tilespmem:$0x800] =	vst v0  }
0x7b: {  	[tilespmem:s13+$0x200] =	vst v2  }
0x7c: {  	v50 =	vld [tilespmem:$0x590];
	_ =	sdelay $0x1  }
0x7d: {  	v51 =	vld [tilespmem:$0x90];
	_ =	sdelay $0x1  }
0x7e: {  	v2 =	vld [tilespmem:$0x690]  }
0x7f: {  	v0 =	vmul.u32 $0x2710, v50;
	_ =	sdelay $0x1  }
0x80: {  	v0 =	vadd.s32 v51, v0  }
0x81: {  	[tilespmem:$0x810] =	vst v0  }
0x82: {  	[tilespmem:s13+$0x210] =	vst v2  }
0x83: {  	v52 =	vld [tilespmem:$0x5A0];
	_ =	sdelay $0x1  }
0x84: {  	v53 =	vld [tilespmem:$0xA0];
	_ =	sdelay $0x1  }
0x85: {  	v2 =	vld [tilespmem:$0x6A0]  }
0x86: {  	v0 =	vmul.u32 $0x2710, v52;
	_ =	sdelay $0x1  }
0x87: {  	v0 =	vadd.s32 v53, v0  }
0x88: {  	[tilespmem:$0x820] =	vst v0  }
0x89: {  	[tilespmem:s13+$0x220] =	vst v2  }
0x8a: {  	v54 =	vld [tilespmem:$0x5B0];
	_ =	sdelay $0x1  }
0x8b: {  	v55 =	vld [tilespmem:$0xB0];
	_ =	sdelay $0x1  }
0x8c: {  	v2 =	vld [tilespmem:$0x6B0]  }
0x8d: {  	v0 =	vmul.u32 $0x2710, v54;
	_ =	sdelay $0x1  }
0x8e: {  	v0 =	vadd.s32 v55, v0  }
0x8f: {  	[tilespmem:$0x830] =	vst v0  }
0x90: {  	[tilespmem:s13+$0x230] =	vst v2  }
0x91: {  	v56 =	vld [tilespmem:$0x5C0];
	_ =	sdelay $0x1  }
0x92: {  	v57 =	vld [tilespmem:$0xC0];
	_ =	sdelay $0x1  }
0x93: {  	v2 =	vld [tilespmem:$0x6C0]  }
0x94: {  	v0 =	vmul.u32 $0x2710, v56;
	_ =	sdelay $0x1  }
0x95: {  	v0 =	vadd.s32 v57, v0  }
0x96: {  	[tilespmem:$0x880] =	vst v0  }
0x97: {  	[tilespmem:s13+$0x280] =	vst v2  }
0x98: {  	v58 =	vld [tilespmem:$0x5D0];
	_ =	sdelay $0x1  }
0x99: {  	v59 =	vld [tilespmem:$0xD0];
	_ =	sdelay $0x1  }
0x9a: {  	v2 =	vld [tilespmem:$0x6D0]  }
0x9b: {  	v0 =	vmul.u32 $0x2710, v58;
	_ =	sdelay $0x1  }
0x9c: {  	v0 =	vadd.s32 v59, v0  }
0x9d: {  	[tilespmem:$0x890] =	vst v0  }
0x9e: {  	[tilespmem:s13+$0x290] =	vst v2  }
0x9f: {  	v60 =	vld [tilespmem:$0x5E0];
	_ =	sdelay $0x1  }
0xa0: {  	v61 =	vld [tilespmem:$0xE0];
	_ =	sdelay $0x1  }
0xa1: {  	v2 =	vld [tilespmem:$0x6E0]  }
0xa2: {  	v0 =	vmul.u32 $0x2710, v60;
	_ =	sdelay $0x1  }
0xa3: {  	v0 =	vadd.s32 v61, v0  }
0xa4: {  	[tilespmem:$0x8A0] =	vst v0  }
0xa5: {  	[tilespmem:s13+$0x2A0] =	vst v2  }
0xa6: {  	v62 =	vld [tilespmem:$0x5F0];
	_ =	sdelay $0x1  }
0xa7: {  	v63 =	vld [tilespmem:$0xF0];
	_ =	sdelay $0x1  }
0xa8: {  	v2 =	vld [tilespmem:$0x6F0]  }
0xa9: {  	v0 =	vmul.u32 $0x2710, v62;
	_ =	sdelay $0x1  }
0xaa: {  	v0 =	vadd.s32 v63, v0  }
0xab: {  	p1 =	por $0x0, $0x0;
	[tilespmem:$0x8B0] =	vst v0  }
0xac: {  	s14 =	simm.s32 @p1 $0x5;
	[tilespmem:s13+$0x2B0] =	vst v2  }
0xad: {  	_ =	swait.ge @p1 [sflag:s14], $0x2000  }
0xae: {  	s15 =	simm.s32 @p1 $0x900;
	s17 =	simm.s32 @p1 $0x6;
	[sflag:s14] =	ssyncset.done @p1 $0x0  }
0xaf: {  	s18 =	simm.s32 @p1 $0x40;
	s21 =	simm.s32 @p1 $0x700;
	[sflag:s14] =	ssyncadd.s32 @p1 $0xFFFFE000  }
0xb0: {  	[tilespmem:s15], [sflag:$0x1] =	stream.indirect.gather @p1 [hbm4b:s7+s18], $0x80, s21, s18, $0xb8;
	[tilespmem:$0x1C180] =	vst v63  }
0xb1: {  	_ =	swait.ge @p1 [sflag:s17], $0x2000  }
0xb2: {  	s14 =	simm.s32 @p1 $0x7;
	[sflag:s17] =	ssyncset.done @p1 $0x0  }
0xb3: {  	s15 =	simm.s32 @p1 $0x780;
	[sflag:s17] =	ssyncadd.s32 @p1 $0xFFFFE000;
	s17 =	simm.s32 @p1 $0x2900  }
0xb4: {  	[tilespmem:s17], [sflag:$0x2] =	stream.indirect.gather @p1 [hbm4b:s7+s18], $0x80, s15, s18, $0xb8;
	[tilespmem:$0x1C180] =	vst v63  }
0xb5: {  	_ =	swait.ge @p1 [sflag:s14], $0x2000  }
0xb6: {  	s15 =	simm.s32 @p1 $0x8;
	[sflag:s14] =	ssyncset.done @p1 $0x0  }
0xb7: {  	s17 =	simm.s32 @p1 $0x4900;
	[sflag:s14] =	ssyncadd.s32 @p1 $0xFFFFE000;
	s14 =	simm.s32 @p1 $0x800  }
0xb8: {  	[tilespmem:s17], [sflag:$0x3] =	stream.indirect.gather @p1 [hbm4b:s7+s18], $0x80, s14, s18, $0xb8;
	[tilespmem:$0x1C180] =	vst v63  }
0xb9: {  	_ =	swait.ge @p1 [sflag:s15], $0x2000  }
0xba: {  	s6 =	sadd.s32 $0x0, s16;
	s21 =	simm.s32 @!p1 $0x700;
	[sflag:s15] =	ssyncset.done @p1 $0x0  }
0xbb: {  	s18 =	simm.s32 @!p1 $0x900;
	[sflag:s15] =	ssyncadd.s32 @p1 $0xFFFFE000;
	s15 =	simm.s32 @!p1 $0x40  }
0xbc: {  	[tilespmem:s18], [sflag:$0x1] =	stream.indirect.gather @!p1 [hbm4b:s7+s15], $0x80, s21, s15, $0xb8;
	[tilespmem:$0x1C180] =	vst v63  }
0xbd: {  	p2 =	sgt.s32 s6, $0x4E1;
	s17 =	simm.s32 @!p1 $0x2900;
	s18 =	simm.s32 @!p1 $0x780  }
0xbe: {  	[tilespmem:s17], [sflag:$0x2] =	stream.indirect.gather @!p1 [hbm4b:s7+s15], $0x80, s18, s15, $0xb8;
	[tilespmem:$0x1C180] =	vst v63  }
0xbf: {  	s19 =	simm.s32 @!p2 $0x0;
	s14 =	simm.s32 @!p1 $0x4900;
	s21 =	simm.s32 @!p1 $0x800  }
0xc0: {  	[tilespmem:s14], [sflag:$0x3] =	stream.indirect.gather @!p1 [hbm4b:s7+s15], $0x80, s21, s15, $0xb8;
	[tilespmem:$0x1C180] =	vst v63  }
0xc1: {  	s8 =	rddreg [dreg:$0x6];
	s18 =	sand.u32 @!p2 $0x1FFFFFC0, s23;
	s17 =	simm.s32 @!p2 $0x80  }
0xc2: {  	[tilespmem:s30], [sflag:$0x4] =	stream.indirect.gather [hbm4b:s7+s29], $0x80, s8, s29, $0xb8;
	[tilespmem:$0x1C180] =	vst v63  }
0xc3: {  	s14 =	sand.u32 @!p2 $0x1FFFFFE0, s12;
	s15 =	sadd.s32 @!p2 s1, s18;
	s21 =	simm.s32 @!p2 $0x100  }
0xc4: {  	[tilespmem:s19], [sflag:$0x9] =	stream.strided.gather @!p2 [hbm4b:s15+s17], $0x100, s21, s17, $0x38;
	[tilespmem:$0x1C180] =	vst v63  }
0xc5: {  	p3 =	seq.s32 @!p1 s5, $0xF;
	s14 =	sadd.s32 @!p2 s2, s14;
	s15 =	simm.s32 @!p2 $0x500  }
0xc6: {  	[tilespmem:s15], [sflag:$0xB] =	stream.linear.gather @!p2 [hbm4b:s14+s19], $0x100, $0x38;
	[tilespmem:$0x1C180] =	vst v63  }
0xc7: {  	p4 =	por !p3, p1;
	s14 =	sadd.s32 @!p2 s18, s10;
	s15 =	simm.s32 @!p2 $0x600  }
0xc8: {  	[tilespmem:s15], [sflag:$0xA] =	stream.strided.gather @!p2 [hbm4b:s14+s17], $0x100, s21, s17, $0x38;
	[tilespmem:$0x1C180] =	vst v63  }
0xc9: {  	s14 =	simm.s32 @!p4 $0xC  }
0xca: {  	_ =	swait.ge @!p4 [sflag:s14], $0x2800  }
0xcb: {  	p2 =	por p3, p1;
	[sflag:s14] =	ssyncset.done @!p4 $0x0  }
0xcc: {  	s15 =	simm.s32 @!p2 $0xC;
	[sflag:s14] =	ssyncadd.s32 @!p4 $0xFFFFD800  }
0xcd: {  	_ =	swait.ge @!p2 [sflag:s15], $0x2700  }
0xce: {  	[sflag:s15] =	ssyncset.done @!p2 $0x0  }
0xcf: {  	[sflag:s15] =	ssyncadd.s32 @!p2 $0xFFFFD900  }
0xd0: {  	[bflag:$0x0] =	sbarrier.arrive @!p1 $0xFFFF  }
0xd1: {  	_ =	swait.ge [sflag:s31], $0x2000  }
0xd2: {  	s24 =	sadd.s32 $0xFFFFFFFF, s24;
	s18 =	sor.u32 $0x100, s13;
	[sflag:s31] =	ssyncset.done $0x0  }
0xd3: {  	p2 =	sne.s32 s24, $0x0;
	s17 =	rddreg [dreg:$0x7];
	[sflag:s31] =	ssyncadd.s32 $0xFFFFE000  }
0xd4: {  	[spmem:s4] =	stream.indirect.scatter.add.f32 [tilespmem:s17], [sflag:$0x5], $0x80, s18, s29, $0xb8;
	[tilespmem:$0x1C180] =	vst v63  }
.Ltmp1:
0xd5: {  	s21 =	sor.u32 $0x180, s13;
	_ =	swait.ge [sflag:s0], $0x2000;
	(pc) =	sbr.rel @!p2 .LBB2_3-.Ltmp1, $4  }
0xd6: {  	s14 =	simm.s32 $0x0;
	s15 =	sadd.s32 $0x200, s13;
	[sflag:s0] =	ssyncset.done $0x0  }
0xd7: {  	p1 =	por $0x1, $0x1;
	s19 =	rddreg [dreg:$0x8];
	[sflag:s0] =	ssyncadd.s32 $0xFFFFE000  }
0xd8: {  	[spmem:s4] =	stream.indirect.scatter.add.f32 [tilespmem:s19], [sflag:$0x6], $0x80, s21, s29, $0xb8;
	[tilespmem:$0x1C180] =	vst v63  }
0xd9: {  	s18 =	sadd.s32 $0x400, s12;
	s17 =	sadd.s32 $0x800, s23;
	_ =	swait.ge [sflag:s26], $0x2000  }
.LBB2_4:
0xda: {  	[sflag:s26] =	ssyncset.done $0x0  }
0xdb: {  	s19 =	rddreg [dreg:$0x9];
	[sflag:s26] =	ssyncadd.s32 $0xFFFFE000  }
0xdc: {  	[spmem:s4] =	stream.indirect.scatter.add.f32 [tilespmem:s19], [sflag:$0x7], $0x80, s15, s29, $0xb8;
	[tilespmem:$0x1C180] =	vst v63  }
0xdd: {  	s14 =	sadd.s32 $0x20, s14;
	_ =	swait.ge [sflag:s28], $0x2000  }
0xde: {  	p3 =	seq.s32 s14, $0x0;
	[sflag:s28] =	ssyncset.done $0x0  }
0xdf: {  	s13 =	sadd.s32 $0x280, s13;
	s15 =	simm.s32 @!p3 $0x9;
	[sflag:s28] =	ssyncadd.s32 $0xFFFFE000  }
0xe0: {  	[spmem:s4] =	stream.indirect.scatter.add.f32 [tilespmem:s30], [sflag:$0x8], $0x80, s13, s29, $0xb8;
	[tilespmem:$0x1C180] =	vst v63  }
0xe1: {  	_ =	swait.ge @!p3 [sflag:s15], $0x100  }
0xe2: {  	[sflag:s15] =	ssyncset.done @!p3 $0x0  }
0xe3: {  	s13 =	simm.s32 @!p3 $0xB;
	[sflag:s15] =	ssyncadd.s32 @!p3 $0xFFFFFF00  }
0xe4: {  	_ =	swait.ge @!p3 [sflag:s13], $0x100  }
0xe5: {  	[sflag:s13] =	ssyncset.done @!p3 $0x0  }
0xe6: {  	[sflag:s13] =	ssyncadd.s32 @!p3 $0xFFFFFF00;
	s13 =	simm.s32 @!p3 $0xA  }
0xe7: {  	_ =	swait.ge @!p3 [sflag:s13], $0x100  }
0xe8: {  	[sflag:s13] =	ssyncset.done @!p3 $0x0  }
0xe9: {  	[sflag:s13] =	ssyncadd.s32 @!p3 $0xFFFFFF00  }
0xea: {  	v0 =	vld [tilespmem:$0x500];
	_ =	sdelay $0x1  }
0xeb: {  	v1 =	vld [tilespmem:$0x0]  }
0xec: {  	s21 =	sshra.s32 s14, $0x5;
	s3 =	sshrl.u32 s14, $0x1F  }
0xed: {  	s19 =	sadd.s32 s3, s21;
	v2 =	vld [tilespmem:$0x600]  }
0xee: {  	s19 =	sand.u32 $0xFFFFFFFE, s19;
	v0 =	vmul.u32 $0x2710, v0  }
0xef: {  	s6 =	ssub.s32 s21, s19  }
0xf0: {  	s13 =	sshll.u32 s6, $0xB;
	v0 =	vadd.s32 v1, v0  }
0xf1: {  	s13 =	sshra.s32 s13, $0x2;
	[tilespmem:$0x700] =	vst v0  }
0xf2: {  	[tilespmem:s13+$0x100] =	vst v2  }
0xf3: {  	v34 =	vld [tilespmem:$0x510];
	_ =	sdelay $0x1  }
0xf4: {  	v35 =	vld [tilespmem:$0x10];
	_ =	sdelay $0x1  }
0xf5: {  	v2 =	vld [tilespmem:$0x610]  }
0xf6: {  	v0 =	vmul.u32 $0x2710, v34;
	_ =	sdelay $0x1  }
0xf7: {  	v0 =	vadd.s32 v35, v0  }
0xf8: {  	[tilespmem:$0x710] =	vst v0  }
0xf9: {  	[tilespmem:s13+$0x110] =	vst v2  }
0xfa: {  	v36 =	vld [tilespmem:$0x520];
	_ =	sdelay $0x1  }
0xfb: {  	v37 =	vld [tilespmem:$0x20];
	_ =	sdelay $0x1  }
0xfc: {  	v2 =	vld [tilespmem:$0x620]  }
0xfd: {  	v0 =	vmul.u32 $0x2710, v36;
	_ =	sdelay $0x1  }
0xfe: {  	v0 =	vadd.s32 v37, v0  }
0xff: {  	[tilespmem:$0x720] =	vst v0  }
0x100: {  	[tilespmem:s13+$0x120] =	vst v2  }
0x101: {  	v38 =	vld [tilespmem:$0x530];
	_ =	sdelay $0x1  }
0x102: {  	v39 =	vld [tilespmem:$0x30];
	_ =	sdelay $0x1  }
0x103: {  	v2 =	vld [tilespmem:$0x630]  }
0x104: {  	v0 =	vmul.u32 $0x2710, v38;
	_ =	sdelay $0x1  }
0x105: {  	v0 =	vadd.s32 v39, v0  }
0x106: {  	[tilespmem:$0x730] =	vst v0  }
0x107: {  	[tilespmem:s13+$0x130] =	vst v2  }
0x108: {  	v40 =	vld [tilespmem:$0x540];
	_ =	sdelay $0x1  }
0x109: {  	v41 =	vld [tilespmem:$0x40];
	_ =	sdelay $0x1  }
0x10a: {  	v2 =	vld [tilespmem:$0x640]  }
0x10b: {  	v0 =	vmul.u32 $0x2710, v40;
	_ =	sdelay $0x1  }
0x10c: {  	v0 =	vadd.s32 v41, v0  }
0x10d: {  	[tilespmem:$0x780] =	vst v0  }
0x10e: {  	[tilespmem:s13+$0x180] =	vst v2  }
0x10f: {  	v42 =	vld [tilespmem:$0x550];
	_ =	sdelay $0x1  }
0x110: {  	v43 =	vld [tilespmem:$0x50];
	_ =	sdelay $0x1  }
0x111: {  	v2 =	vld [tilespmem:$0x650]  }
0x112: {  	v0 =	vmul.u32 $0x2710, v42;
	_ =	sdelay $0x1  }
0x113: {  	v0 =	vadd.s32 v43, v0  }
0x114: {  	[tilespmem:$0x790] =	vst v0  }
0x115: {  	[tilespmem:s13+$0x190] =	vst v2  }
0x116: {  	v44 =	vld [tilespmem:$0x560];
	_ =	sdelay $0x1  }
0x117: {  	v45 =	vld [tilespmem:$0x60];
	_ =	sdelay $0x1  }
0x118: {  	v2 =	vld [tilespmem:$0x660]  }
0x119: {  	v0 =	vmul.u32 $0x2710, v44;
	_ =	sdelay $0x1  }
0x11a: {  	v0 =	vadd.s32 v45, v0  }
0x11b: {  	[tilespmem:$0x7A0] =	vst v0  }
0x11c: {  	[tilespmem:s13+$0x1A0] =	vst v2  }
0x11d: {  	v46 =	vld [tilespmem:$0x570];
	_ =	sdelay $0x1  }
0x11e: {  	v47 =	vld [tilespmem:$0x70];
	_ =	sdelay $0x1  }
0x11f: {  	v2 =	vld [tilespmem:$0x670]  }
0x120: {  	v0 =	vmul.u32 $0x2710, v46;
	_ =	sdelay $0x1  }
0x121: {  	v0 =	vadd.s32 v47, v0  }
0x122: {  	[tilespmem:$0x7B0] =	vst v0  }
0x123: {  	[tilespmem:s13+$0x1B0] =	vst v2  }
0x124: {  	v48 =	vld [tilespmem:$0x580];
	_ =	sdelay $0x1  }
0x125: {  	v49 =	vld [tilespmem:$0x80];
	_ =	sdelay $0x1  }
0x126: {  	v2 =	vld [tilespmem:$0x680]  }
0x127: {  	v0 =	vmul.u32 $0x2710, v48;
	_ =	sdelay $0x1  }
0x128: {  	v0 =	vadd.s32 v49, v0  }
0x129: {  	[tilespmem:$0x800] =	vst v0  }
0x12a: {  	[tilespmem:s13+$0x200] =	vst v2  }
0x12b: {  	v50 =	vld [tilespmem:$0x590];
	_ =	sdelay $0x1  }
0x12c: {  	v51 =	vld [tilespmem:$0x90];
	_ =	sdelay $0x1  }
0x12d: {  	v2 =	vld [tilespmem:$0x690]  }
0x12e: {  	v0 =	vmul.u32 $0x2710, v50;
	_ =	sdelay $0x1  }
0x12f: {  	v0 =	vadd.s32 v51, v0  }
0x130: {  	[tilespmem:$0x810] =	vst v0  }
0x131: {  	[tilespmem:s13+$0x210] =	vst v2  }
0x132: {  	v52 =	vld [tilespmem:$0x5A0];
	_ =	sdelay $0x1  }
0x133: {  	v53 =	vld [tilespmem:$0xA0];
	_ =	sdelay $0x1  }
0x134: {  	v2 =	vld [tilespmem:$0x6A0]  }
0x135: {  	v0 =	vmul.u32 $0x2710, v52;
	_ =	sdelay $0x1  }
0x136: {  	v0 =	vadd.s32 v53, v0  }
0x137: {  	[tilespmem:$0x820] =	vst v0  }
0x138: {  	[tilespmem:s13+$0x220] =	vst v2  }
0x139: {  	v54 =	vld [tilespmem:$0x5B0];
	_ =	sdelay $0x1  }
0x13a: {  	v55 =	vld [tilespmem:$0xB0];
	_ =	sdelay $0x1  }
0x13b: {  	v2 =	vld [tilespmem:$0x6B0]  }
0x13c: {  	v0 =	vmul.u32 $0x2710, v54;
	_ =	sdelay $0x1  }
0x13d: {  	v0 =	vadd.s32 v55, v0  }
0x13e: {  	[tilespmem:$0x830] =	vst v0  }
0x13f: {  	[tilespmem:s13+$0x230] =	vst v2  }
0x140: {  	v56 =	vld [tilespmem:$0x5C0];
	_ =	sdelay $0x1  }
0x141: {  	v57 =	vld [tilespmem:$0xC0];
	_ =	sdelay $0x1  }
0x142: {  	v2 =	vld [tilespmem:$0x6C0]  }
0x143: {  	v0 =	vmul.u32 $0x2710, v56;
	_ =	sdelay $0x1  }
0x144: {  	v0 =	vadd.s32 v57, v0  }
0x145: {  	[tilespmem:$0x880] =	vst v0  }
0x146: {  	[tilespmem:s13+$0x280] =	vst v2  }
0x147: {  	v58 =	vld [tilespmem:$0x5D0];
	_ =	sdelay $0x1  }
0x148: {  	v59 =	vld [tilespmem:$0xD0];
	_ =	sdelay $0x1  }
0x149: {  	v2 =	vld [tilespmem:$0x6D0]  }
0x14a: {  	v0 =	vmul.u32 $0x2710, v58;
	_ =	sdelay $0x1  }
0x14b: {  	v0 =	vadd.s32 v59, v0  }
0x14c: {  	[tilespmem:$0x890] =	vst v0  }
0x14d: {  	[tilespmem:s13+$0x290] =	vst v2  }
0x14e: {  	v60 =	vld [tilespmem:$0x5E0];
	_ =	sdelay $0x1  }
0x14f: {  	v61 =	vld [tilespmem:$0xE0];
	_ =	sdelay $0x1  }
0x150: {  	v2 =	vld [tilespmem:$0x6E0]  }
0x151: {  	v0 =	vmul.u32 $0x2710, v60;
	_ =	sdelay $0x1  }
0x152: {  	v0 =	vadd.s32 v61, v0  }
0x153: {  	[tilespmem:$0x8A0] =	vst v0  }
0x154: {  	[tilespmem:s13+$0x2A0] =	vst v2  }
0x155: {  	v62 =	vld [tilespmem:$0x5F0];
	_ =	sdelay $0x1  }
0x156: {  	v63 =	vld [tilespmem:$0xF0];
	_ =	sdelay $0x1  }
0x157: {  	v2 =	vld [tilespmem:$0x6F0]  }
0x158: {  	v0 =	vmul.u32 $0x2710, v62;
	_ =	sdelay $0x1  }
0x159: {  	v0 =	vadd.s32 v63, v0  }
0x15a: {  	p3 =	sne.s32 s14, $0x0;
	[tilespmem:$0x8B0] =	vst v0  }
0x15b: {  	s15 =	simm.s32 @p3 $0x5;
	[tilespmem:s13+$0x2B0] =	vst v2  }
0x15c: {  	_ =	swait.ge @p3 [sflag:s15], $0x2000  }
0x15d: {  	s19 =	simm.s32 @p3 $0x900;
	s21 =	simm.s32 @p3 $0x6;
	[sflag:s15] =	ssyncset.done @p3 $0x0  }
0x15e: {  	s3 =	simm.s32 @p3 $0x40;
	s6 =	simm.s32 @p3 $0x700;
	[sflag:s15] =	ssyncadd.s32 @p3 $0xFFFFE000  }
0x15f: {  	[tilespmem:s19], [sflag:$0x1] =	stream.indirect.gather @p3 [hbm4b:s7+s3], $0x80, s6, s3, $0xb8;
	[tilespmem:$0x1C180] =	vst v63  }
0x160: {  	_ =	swait.ge @p3 [sflag:s21], $0x2000  }
0x161: {  	s15 =	simm.s32 @p3 $0x780;
	[sflag:s21] =	ssyncset.done @p3 $0x0  }
0x162: {  	s6 =	simm.s32 @p3 $0x7;
	s19 =	simm.s32 @p3 $0x2900;
	[sflag:s21] =	ssyncadd.s32 @p3 $0xFFFFE000  }
0x163: {  	[tilespmem:s19], [sflag:$0x2] =	stream.indirect.gather @p3 [hbm4b:s7+s3], $0x80, s15, s3, $0xb8;
	[tilespmem:$0x1C180] =	vst v63  }
0x164: {  	_ =	swait.ge @p3 [sflag:s6], $0x2000  }
0x165: {  	s15 =	simm.s32 @p3 $0x8;
	[sflag:s6] =	ssyncset.done @p3 $0x0  }
0x166: {  	s19 =	simm.s32 @p3 $0x4900;
	[sflag:s6] =	ssyncadd.s32 @p3 $0xFFFFE000;
	s6 =	simm.s32 @p3 $0x800  }
0x167: {  	[tilespmem:s19], [sflag:$0x3] =	stream.indirect.gather @p3 [hbm4b:s7+s3], $0x80, s6, s3, $0xb8;
	[tilespmem:$0x1C180] =	vst v63  }
0x168: {  	s8 =	simm.s32 @!p3 $0x700;
	s21 =	simm.s32 @!p3 $0x780;
	_ =	swait.ge @p3 [sflag:s15], $0x2000  }
0x169: {  	s3 =	sadd.s32 s14, s16;
	s6 =	simm.s32 @!p3 $0x2900;
	[sflag:s15] =	ssyncset.done @p3 $0x0  }
0x16a: {  	s19 =	simm.s32 @!p3 $0x900;
	[sflag:s15] =	ssyncadd.s32 @p3 $0xFFFFE000;
	s15 =	simm.s32 @!p3 $0x40  }
0x16b: {  	[tilespmem:s19], [sflag:$0x1] =	stream.indirect.gather @!p3 [hbm4b:s7+s15], $0x80, s8, s15, $0xb8;
	[tilespmem:$0x1C180] =	vst v63  }
0x16c: {  	p5 =	sgt.s32 s3, $0x4E1;
	s8 =	simm.s32 @!p3 $0x800;
	s19 =	simm.s32 @!p3 $0x4900  }
0x16d: {  	[tilespmem:s6], [sflag:$0x2] =	stream.indirect.gather @!p3 [hbm4b:s7+s15], $0x80, s21, s15, $0xb8;
	[tilespmem:$0x1C180] =	vst v63  }
0x16e: {  	s6 =	sand.u32 @!p5 $0x1FFFFFC0, s17;
	s21 =	sand.u32 @!p5 $0x1FFFFFE0, s18  }
0x16f: {  	[tilespmem:s19], [sflag:$0x3] =	stream.indirect.gather @!p3 [hbm4b:s7+s15], $0x80, s8, s15, $0xb8;
	[tilespmem:$0x1C180] =	vst v63  }
0x170: {  	s3 =	rddreg [dreg:$0x6];
	s8 =	sadd.s32 @!p5 s1, s6;
	s15 =	sadd.s32 @!p5 s2, s21  }
0x171: {  	[tilespmem:s30], [sflag:$0x4] =	stream.indirect.gather [hbm4b:s7+s29], $0x80, s3, s29, $0xb8;
	[tilespmem:$0x1C180] =	vst v63  }
0x172: {  	s19 =	simm.s32 @!p5 $0x100;
	s21 =	simm.s32 @!p5 $0x0;
	s3 =	simm.s32 @!p5 $0x80  }
0x173: {  	[tilespmem:s21], [sflag:$0x9] =	stream.strided.gather @!p5 [hbm4b:s8+s3], $0x100, s19, s3, $0x38;
	[tilespmem:$0x1C180] =	vst v63  }
0x174: {  	p4 =	seq.s32 @!p3 s5, $0xF;
	s8 =	simm.s32 @!p5 $0x500  }
0x175: {  	[tilespmem:s8], [sflag:$0xB] =	stream.linear.gather @!p5 [hbm4b:s15+s21], $0x100, $0x38;
	[tilespmem:$0x1C180] =	vst v63  }
0x176: {  	p6 =	por !p4, p3;
	s6 =	sadd.s32 @!p5 s6, s10;
	s8 =	simm.s32 @!p5 $0x600  }
0x177: {  	[tilespmem:s8], [sflag:$0xA] =	stream.strided.gather @!p5 [hbm4b:s6+s3], $0x100, s19, s3, $0x38;
	[tilespmem:$0x1C180] =	vst v63  }
0x178: {  	s3 =	simm.s32 @!p6 $0xC  }
0x179: {  	_ =	swait.ge @!p6 [sflag:s3], $0x2800  }
0x17a: {  	p4 =	por p4, p3;
	[sflag:s3] =	ssyncset.done @!p6 $0x0  }
0x17b: {  	s6 =	simm.s32 @!p4 $0xC;
	[sflag:s3] =	ssyncadd.s32 @!p6 $0xFFFFD800  }
0x17c: {  	_ =	swait.ge @!p4 [sflag:s6], $0x2700  }
0x17d: {  	[sflag:s6] =	ssyncset.done @!p4 $0x0  }
0x17e: {  	[sflag:s6] =	ssyncadd.s32 @!p4 $0xFFFFD900  }
0x17f: {  	[bflag:$0x0] =	sbarrier.arrive @!p3 $0xFFFF  }
0x180: {  	s24 =	sadd.s32 $0xFFFFFFFF, s24;
	_ =	swait.ge [sflag:s31], $0x2000  }
0x181: {  	p2 =	sne.s32 s24, $0x0;
	[sflag:s31] =	ssyncset.done $0x0  }
0x182: {  	s8 =	sor.u32 $0x100, s13;
	s15 =	rddreg [dreg:$0x7];
	[sflag:s31] =	ssyncadd.s32 $0xFFFFE000  }
0x183: {  	[spmem:s4] =	stream.indirect.scatter.add.f32 [tilespmem:s15], [sflag:$0x5], $0x80, s8, s29, $0xb8;
	[tilespmem:$0x1C180] =	vst v63  }
.Ltmp2:
0x184: {  	_ =	swait.ge [sflag:s0], $0x2000;
	(pc) =	sbr.rel @p2 .LBB2_4-.Ltmp2, $4  }
0x185: {  	s18 =	sadd.s32 $0x400, s18;
	[sflag:s0] =	ssyncset.done $0x0  }
0x186: {  	s19 =	sor.u32 $0x180, s13;
	s21 =	rddreg [dreg:$0x8];
	[sflag:s0] =	ssyncadd.s32 $0xFFFFE000  }
0x187: {  	[spmem:s4] =	stream.indirect.scatter.add.f32 [tilespmem:s21], [sflag:$0x6], $0x80, s19, s29, $0xb8;
	[tilespmem:$0x1C180] =	vst v63  }
0x188: {  	s17 =	sadd.s32 $0x800, s17;
	s15 =	sadd.s32 $0x200, s13;
	_ =	swait.ge [sflag:s26], $0x2000  }
.LBB2_5:
0x189: {  	s3 =	rddreg [dreg:$0x9];
	[sflag:s26] =	ssyncset.done @p1 $0x0  }
0x18a: {  	s6 =	sadd.s32 @p1 $0x20, s14;
	s14 =	simm.s32 $0x0;
	[sflag:s26] =	ssyncadd.s32 @p1 $0xFFFFE000  }
0x18b: {  	[spmem:s4] =	stream.indirect.scatter.add.f32 @p1 [tilespmem:s3], [sflag:$0x7], $0x80, s15, s29, $0xb8;
	[tilespmem:$0x1C180] =	vst v63  }
0x18c: {  	s14 =	smov.u32 @p1 s6;
	_ =	swait.ge @p1 [sflag:s28], $0x2000  }
0x18d: {  	p2 =	seq.s32 s14, $0x0;
	[sflag:s28] =	ssyncset.done @p1 $0x0  }
0x18e: {  	s6 =	sadd.s32 @p1 $0x280, s13;
	s3 =	simm.s32 @!p2 $0x9;
	[sflag:s28] =	ssyncadd.s32 @p1 $0xFFFFE000  }
0x18f: {  	[spmem:s4] =	stream.indirect.scatter.add.f32 @p1 [tilespmem:s30], [sflag:$0x8], $0x80, s6, s29, $0xb8;
	[tilespmem:$0x1C180] =	vst v63  }
0x190: {  	_ =	swait.ge @!p2 [sflag:s3], $0x100  }
0x191: {  	[sflag:s3] =	ssyncset.done @!p2 $0x0  }
0x192: {  	s6 =	simm.s32 @!p2 $0xB;
	[sflag:s3] =	ssyncadd.s32 @!p2 $0xFFFFFF00  }
0x193: {  	_ =	swait.ge @!p2 [sflag:s6], $0x100  }
0x194: {  	[sflag:s6] =	ssyncset.done @!p2 $0x0  }
0x195: {  	s3 =	simm.s32 @!p2 $0xA;
	[sflag:s6] =	ssyncadd.s32 @!p2 $0xFFFFFF00  }
0x196: {  	_ =	swait.ge @!p2 [sflag:s3], $0x100  }
0x197: {  	[sflag:s3] =	ssyncset.done @!p2 $0x0  }
0x198: {  	[sflag:s3] =	ssyncadd.s32 @!p2 $0xFFFFFF00  }
0x199: {  	v0 =	vld [tilespmem:$0x500];
	_ =	sdelay $0x1  }
0x19a: {  	v1 =	vld [tilespmem:$0x0]  }
0x19b: {  	s8 =	sshra.s32 s14, $0x5;
	s13 =	sshrl.u32 s14, $0x1F  }
0x19c: {  	s6 =	sadd.s32 s13, s8;
	v2 =	vld [tilespmem:$0x600]  }
0x19d: {  	s6 =	sand.u32 $0xFFFFFFFE, s6;
	v0 =	vmul.u32 $0x2710, v0  }
0x19e: {  	s3 =	ssub.s32 s8, s6  }
0x19f: {  	s3 =	sshll.u32 s3, $0xB;
	v0 =	vadd.s32 v1, v0  }
0x1a0: {  	s13 =	sshra.s32 s3, $0x2;
	[tilespmem:$0x700] =	vst v0  }
0x1a1: {  	[tilespmem:s13+$0x100] =	vst v2  }
0x1a2: {  	v34 =	vld [tilespmem:$0x510];
	_ =	sdelay $0x1  }
0x1a3: {  	v35 =	vld [tilespmem:$0x10];
	_ =	sdelay $0x1  }
0x1a4: {  	v2 =	vld [tilespmem:$0x610]  }
0x1a5: {  	v0 =	vmul.u32 $0x2710, v34;
	_ =	sdelay $0x1  }
0x1a6: {  	v0 =	vadd.s32 v35, v0  }
0x1a7: {  	[tilespmem:$0x710] =	vst v0  }
0x1a8: {  	[tilespmem:s13+$0x110] =	vst v2  }
0x1a9: {  	v36 =	vld [tilespmem:$0x520];
	_ =	sdelay $0x1  }
0x1aa: {  	v37 =	vld [tilespmem:$0x20];
	_ =	sdelay $0x1  }
0x1ab: {  	v2 =	vld [tilespmem:$0x620]  }
0x1ac: {  	v0 =	vmul.u32 $0x2710, v36;
	_ =	sdelay $0x1  }
0x1ad: {  	v0 =	vadd.s32 v37, v0  }
0x1ae: {  	[tilespmem:$0x720] =	vst v0  }
0x1af: {  	[tilespmem:s13+$0x120] =	vst v2  }
0x1b0: {  	v38 =	vld [tilespmem:$0x530];
	_ =	sdelay $0x1  }
0x1b1: {  	v39 =	vld [tilespmem:$0x30];
	_ =	sdelay $0x1  }
0x1b2: {  	v2 =	vld [tilespmem:$0x630]  }
0x1b3: {  	v0 =	vmul.u32 $0x2710, v38;
	_ =	sdelay $0x1  }
0x1b4: {  	v0 =	vadd.s32 v39, v0  }
0x1b5: {  	[tilespmem:$0x730] =	vst v0  }
0x1b6: {  	[tilespmem:s13+$0x130] =	vst v2  }
0x1b7: {  	v40 =	vld [tilespmem:$0x540];
	_ =	sdelay $0x1  }
0x1b8: {  	v41 =	vld [tilespmem:$0x40];
	_ =	sdelay $0x1  }
0x1b9: {  	v2 =	vld [tilespmem:$0x640]  }
0x1ba: {  	v0 =	vmul.u32 $0x2710, v40;
	_ =	sdelay $0x1  }
0x1bb: {  	v0 =	vadd.s32 v41, v0  }
0x1bc: {  	[tilespmem:$0x780] =	vst v0  }
0x1bd: {  	[tilespmem:s13+$0x180] =	vst v2  }
0x1be: {  	v42 =	vld [tilespmem:$0x550];
	_ =	sdelay $0x1  }
0x1bf: {  	v43 =	vld [tilespmem:$0x50];
	_ =	sdelay $0x1  }
0x1c0: {  	v2 =	vld [tilespmem:$0x650]  }
0x1c1: {  	v0 =	vmul.u32 $0x2710, v42;
	_ =	sdelay $0x1  }
0x1c2: {  	v0 =	vadd.s32 v43, v0  }
0x1c3: {  	[tilespmem:$0x790] =	vst v0  }
0x1c4: {  	[tilespmem:s13+$0x190] =	vst v2  }
0x1c5: {  	v44 =	vld [tilespmem:$0x560];
	_ =	sdelay $0x1  }
0x1c6: {  	v45 =	vld [tilespmem:$0x60];
	_ =	sdelay $0x1  }
0x1c7: {  	v2 =	vld [tilespmem:$0x660]  }
0x1c8: {  	v0 =	vmul.u32 $0x2710, v44;
	_ =	sdelay $0x1  }
0x1c9: {  	v0 =	vadd.s32 v45, v0  }
0x1ca: {  	[tilespmem:$0x7A0] =	vst v0  }
0x1cb: {  	[tilespmem:s13+$0x1A0] =	vst v2  }
0x1cc: {  	v46 =	vld [tilespmem:$0x570];
	_ =	sdelay $0x1  }
0x1cd: {  	v47 =	vld [tilespmem:$0x70];
	_ =	sdelay $0x1  }
0x1ce: {  	v2 =	vld [tilespmem:$0x670]  }
0x1cf: {  	v0 =	vmul.u32 $0x2710, v46;
	_ =	sdelay $0x1  }
0x1d0: {  	v0 =	vadd.s32 v47, v0  }
0x1d1: {  	[tilespmem:$0x7B0] =	vst v0  }
0x1d2: {  	[tilespmem:s13+$0x1B0] =	vst v2  }
0x1d3: {  	v48 =	vld [tilespmem:$0x580];
	_ =	sdelay $0x1  }
0x1d4: {  	v49 =	vld [tilespmem:$0x80];
	_ =	sdelay $0x1  }
0x1d5: {  	v2 =	vld [tilespmem:$0x680]  }
0x1d6: {  	v0 =	vmul.u32 $0x2710, v48;
	_ =	sdelay $0x1  }
0x1d7: {  	v0 =	vadd.s32 v49, v0  }
0x1d8: {  	[tilespmem:$0x800] =	vst v0  }
0x1d9: {  	[tilespmem:s13+$0x200] =	vst v2  }
0x1da: {  	v50 =	vld [tilespmem:$0x590];
	_ =	sdelay $0x1  }
0x1db: {  	v51 =	vld [tilespmem:$0x90];
	_ =	sdelay $0x1  }
0x1dc: {  	v2 =	vld [tilespmem:$0x690]  }
0x1dd: {  	v0 =	vmul.u32 $0x2710, v50;
	_ =	sdelay $0x1  }
0x1de: {  	v0 =	vadd.s32 v51, v0  }
0x1df: {  	[tilespmem:$0x810] =	vst v0  }
0x1e0: {  	[tilespmem:s13+$0x210] =	vst v2  }
0x1e1: {  	v52 =	vld [tilespmem:$0x5A0];
	_ =	sdelay $0x1  }
0x1e2: {  	v53 =	vld [tilespmem:$0xA0];
	_ =	sdelay $0x1  }
0x1e3: {  	v2 =	vld [tilespmem:$0x6A0]  }
0x1e4: {  	v0 =	vmul.u32 $0x2710, v52;
	_ =	sdelay $0x1  }
0x1e5: {  	v0 =	vadd.s32 v53, v0  }
0x1e6: {  	[tilespmem:$0x820] =	vst v0  }
0x1e7: {  	[tilespmem:s13+$0x220] =	vst v2  }
0x1e8: {  	v54 =	vld [tilespmem:$0x5B0];
	_ =	sdelay $0x1  }
0x1e9: {  	v55 =	vld [tilespmem:$0xB0];
	_ =	sdelay $0x1  }
0x1ea: {  	v2 =	vld [tilespmem:$0x6B0]  }
0x1eb: {  	v0 =	vmul.u32 $0x2710, v54;
	_ =	sdelay $0x1  }
0x1ec: {  	v0 =	vadd.s32 v55, v0  }
0x1ed: {  	[tilespmem:$0x830] =	vst v0  }
0x1ee: {  	[tilespmem:s13+$0x230] =	vst v2  }
0x1ef: {  	v56 =	vld [tilespmem:$0x5C0];
	_ =	sdelay $0x1  }
0x1f0: {  	v57 =	vld [tilespmem:$0xC0];
	_ =	sdelay $0x1  }
0x1f1: {  	v2 =	vld [tilespmem:$0x6C0]  }
0x1f2: {  	v0 =	vmul.u32 $0x2710, v56;
	_ =	sdelay $0x1  }
0x1f3: {  	v0 =	vadd.s32 v57, v0  }
0x1f4: {  	[tilespmem:$0x880] =	vst v0  }
0x1f5: {  	[tilespmem:s13+$0x280] =	vst v2  }
0x1f6: {  	v58 =	vld [tilespmem:$0x5D0];
	_ =	sdelay $0x1  }
0x1f7: {  	v59 =	vld [tilespmem:$0xD0];
	_ =	sdelay $0x1  }
0x1f8: {  	v2 =	vld [tilespmem:$0x6D0]  }
0x1f9: {  	v0 =	vmul.u32 $0x2710, v58;
	_ =	sdelay $0x1  }
0x1fa: {  	v0 =	vadd.s32 v59, v0  }
0x1fb: {  	[tilespmem:$0x890] =	vst v0  }
0x1fc: {  	[tilespmem:s13+$0x290] =	vst v2  }
0x1fd: {  	v60 =	vld [tilespmem:$0x5E0];
	_ =	sdelay $0x1  }
0x1fe: {  	v61 =	vld [tilespmem:$0xE0];
	_ =	sdelay $0x1  }
0x1ff: {  	v2 =	vld [tilespmem:$0x6E0]  }
0x200: {  	v0 =	vmul.u32 $0x2710, v60;
	_ =	sdelay $0x1  }
0x201: {  	v0 =	vadd.s32 v61, v0  }
0x202: {  	[tilespmem:$0x8A0] =	vst v0  }
0x203: {  	[tilespmem:s13+$0x2A0] =	vst v2  }
0x204: {  	v62 =	vld [tilespmem:$0x5F0];
	_ =	sdelay $0x1  }
0x205: {  	v63 =	vld [tilespmem:$0xF0];
	_ =	sdelay $0x1  }
0x206: {  	v2 =	vld [tilespmem:$0x6F0]  }
0x207: {  	v0 =	vmul.u32 $0x2710, v62;
	_ =	sdelay $0x1  }
0x208: {  	v0 =	vadd.s32 v63, v0  }
0x209: {  	p1 =	sne.s32 s14, $0x0;
	[tilespmem:$0x8B0] =	vst v0  }
0x20a: {  	s3 =	simm.s32 @p1 $0x5;
	[tilespmem:s13+$0x2B0] =	vst v2  }
0x20b: {  	_ =	swait.ge @p1 [sflag:s3], $0x2000  }
0x20c: {  	s6 =	simm.s32 @p1 $0x900;
	[sflag:s3] =	ssyncset.done @p1 $0x0  }
0x20d: {  	s8 =	simm.s32 @p1 $0x40;
	[sflag:s3] =	ssyncadd.s32 @p1 $0xFFFFE000;
	s3 =	simm.s32 @p1 $0x700  }
0x20e: {  	[tilespmem:s6], [sflag:$0x1] =	stream.indirect.gather @p1 [hbm4b:s7+s8], $0x80, s3, s8, $0xb8;
	[tilespmem:$0x1C180] =	vst v63  }
0x20f: {  	s3 =	simm.s32 @p1 $0x6  }
0x210: {  	_ =	swait.ge @p1 [sflag:s3], $0x2000  }
0x211: {  	[sflag:s3] =	ssyncset.done @p1 $0x0  }
0x212: {  	s6 =	simm.s32 @p1 $0x2900;
	[sflag:s3] =	ssyncadd.s32 @p1 $0xFFFFE000;
	s3 =	simm.s32 @p1 $0x780  }
0x213: {  	[tilespmem:s6], [sflag:$0x2] =	stream.indirect.gather @p1 [hbm4b:s7+s8], $0x80, s3, s8, $0xb8;
	[tilespmem:$0x1C180] =	vst v63  }
0x214: {  	s3 =	simm.s32 @p1 $0x7  }
0x215: {  	_ =	swait.ge @p1 [sflag:s3], $0x2000  }
0x216: {  	[sflag:s3] =	ssyncset.done @p1 $0x0  }
0x217: {  	s6 =	simm.s32 @p1 $0x4900;
	[sflag:s3] =	ssyncadd.s32 @p1 $0xFFFFE000;
	s3 =	simm.s32 @p1 $0x800  }
0x218: {  	[tilespmem:s6], [sflag:$0x3] =	stream.indirect.gather @p1 [hbm4b:s7+s8], $0x80, s3, s8, $0xb8;
	[tilespmem:$0x1C180] =	vst v63  }
0x219: {  	s3 =	simm.s32 @p1 $0x8  }
0x21a: {  	_ =	swait.ge @p1 [sflag:s3], $0x2000  }
0x21b: {  	s15 =	sadd.s32 s14, s16;
	s6 =	simm.s32 @!p1 $0x900;
	[sflag:s3] =	ssyncset.done @p1 $0x0  }
0x21c: {  	s8 =	simm.s32 @!p1 $0x700;
	[sflag:s3] =	ssyncadd.s32 @p1 $0xFFFFE000;
	s3 =	simm.s32 @!p1 $0x40  }
0x21d: {  	[tilespmem:s6], [sflag:$0x1] =	stream.indirect.gather @!p1 [hbm4b:s7+s3], $0x80, s8, s3, $0xb8;
	[tilespmem:$0x1C180] =	vst v63  }
0x21e: {  	s14 =	simm.s32 @!p1 $0x780;
	p2 =	sgt.s32 s15, $0x4E1;
	s8 =	simm.s32 @!p1 $0x2900  }
0x21f: {  	[tilespmem:s8], [sflag:$0x2] =	stream.indirect.gather @!p1 [hbm4b:s7+s3], $0x80, s14, s3, $0xb8;
	[tilespmem:$0x1C180] =	vst v63  }
0x220: {  	s15 =	sand.u32 @!p2 $0x1FFFFFC0, s17;
	s6 =	simm.s32 @!p1 $0x800;
	s8 =	simm.s32 @!p1 $0x4900  }
0x221: {  	[tilespmem:s8], [sflag:$0x3] =	stream.indirect.gather @!p1 [hbm4b:s7+s3], $0x80, s6, s3, $0xb8;
	[tilespmem:$0x1C180] =	vst v63  }
0x222: {  	s17 =	simm.s32 @!p2 $0x0;
	s19 =	rddreg [dreg:$0x6];
	s14 =	simm.s32 @!p2 $0x100  }
0x223: {  	[tilespmem:s30], [sflag:$0x4] =	stream.indirect.gather [hbm4b:s7+s29], $0x80, s19, s29, $0xb8;
	[tilespmem:$0x1C180] =	vst v63  }
0x224: {  	s3 =	sand.u32 @!p2 $0x1FFFFFE0, s18;
	s6 =	sadd.s32 @!p2 s1, s15;
	s8 =	simm.s32 @!p2 $0x80  }
0x225: {  	[tilespmem:s17], [sflag:$0x9] =	stream.strided.gather @!p2 [hbm4b:s6+s8], $0x100, s14, s8, $0x38;
	[tilespmem:$0x1C180] =	vst v63  }
0x226: {  	s3 =	sadd.s32 @!p2 s2, s3;
	s6 =	simm.s32 @!p2 $0x500  }
0x227: {  	[tilespmem:s6], [sflag:$0xB] =	stream.linear.gather @!p2 [hbm4b:s3+s17], $0x100, $0x38;
	[tilespmem:$0x1C180] =	vst v63  }
0x228: {  	s3 =	sadd.s32 @!p2 s15, s10;
	s6 =	simm.s32 @!p2 $0x600  }
0x229: {  	[tilespmem:s6], [sflag:$0xA] =	stream.strided.gather @!p2 [hbm4b:s3+s8], $0x100, s14, s8, $0x38;
	[tilespmem:$0x1C180] =	vst v63  }
0x22a: {  	p2 =	seq.s32 @!p1 s5, $0xF  }
0x22b: {  	p3 =	por !p2, p1  }
0x22c: {  	s3 =	simm.s32 @!p3 $0xC  }
0x22d: {  	_ =	swait.ge @!p3 [sflag:s3], $0x2800  }
0x22e: {  	p2 =	por p2, p1;
	[sflag:s3] =	ssyncset.done @!p3 $0x0  }
0x22f: {  	s6 =	simm.s32 @!p2 $0xC;
	[sflag:s3] =	ssyncadd.s32 @!p3 $0xFFFFD800  }
0x230: {  	_ =	swait.ge @!p2 [sflag:s6], $0x2700  }
0x231: {  	[sflag:s6] =	ssyncset.done @!p2 $0x0  }
0x232: {  	[sflag:s6] =	ssyncadd.s32 @!p2 $0xFFFFD900  }
0x233: {  	[bflag:$0x0] =	sbarrier.arrive @!p1 $0xFFFF  }
0x234: {  	_ =	swait.ge [sflag:s31], $0x2000  }
0x235: {  	[sflag:s31] =	ssyncset.done $0x0  }
0x236: {  	s24 =	sor.u32 $0x100, s13;
	s21 =	rddreg [dreg:$0x7];
	[sflag:s31] =	ssyncadd.s32 $0xFFFFE000  }
0x237: {  	[spmem:s4] =	stream.indirect.scatter.add.f32 [tilespmem:s21], [sflag:$0x5], $0x80, s24, s29, $0xb8;
	[tilespmem:$0x1C180] =	vst v63  }
0x238: {  	_ =	swait.ge [sflag:s0], $0x2000  }
0x239: {  	[sflag:s0] =	ssyncset.done $0x0  }
0x23a: {  	s8 =	sor.u32 $0x180, s13;
	s6 =	rddreg [dreg:$0x8];
	[sflag:s0] =	ssyncadd.s32 $0xFFFFE000  }
0x23b: {  	[spmem:s4] =	stream.indirect.scatter.add.f32 [tilespmem:s6], [sflag:$0x6], $0x80, s8, s29, $0xb8;
	[tilespmem:$0x1C180] =	vst v63  }
0x23c: {  	_ =	swait.ge [sflag:s26], $0x2000  }
0x23d: {  	[sflag:s26] =	ssyncset.done $0x0  }
0x23e: {  	s15 =	sadd.s32 $0x200, s13;
	s14 =	rddreg [dreg:$0x9];
	[sflag:s26] =	ssyncadd.s32 $0xFFFFE000  }
0x23f: {  	[spmem:s4] =	stream.indirect.scatter.add.f32 [tilespmem:s14], [sflag:$0x7], $0x80, s15, s29, $0xb8;
	[tilespmem:$0x1C180] =	vst v63  }
0x240: {  	_ =	swait.ge [sflag:s28], $0x2000  }
0x241: {  	[sflag:s28] =	ssyncset.done $0x0  }
0x242: {  	s18 =	simm.s32 $0x5;
	s17 =	sadd.s32 $0x280, s13;
	[sflag:s28] =	ssyncadd.s32 $0xFFFFE000  }
0x243: {  	[spmem:s4] =	stream.indirect.scatter.add.f32 [tilespmem:s30], [sflag:$0x8], $0x80, s17, s29, $0xb8;
	[tilespmem:$0x1C180] =	vst v63  }
0x244: {  	_ =	swait.ge [sflag:s18], $0x2000  }
0x245: {  	[sflag:s18] =	ssyncset.done $0x0  }
0x246: {  	s19 =	simm.s32 $0x6;
	[sflag:s18] =	ssyncadd.s32 $0xFFFFE000  }
0x247: {  	_ =	swait.ge [sflag:s19], $0x2000  }
0x248: {  	[sflag:s19] =	ssyncset.done $0x0  }
0x249: {  	s21 =	simm.s32 $0x7;
	[sflag:s19] =	ssyncadd.s32 $0xFFFFE000  }
0x24a: {  	_ =	swait.ge [sflag:s21], $0x2000  }
0x24b: {  	[sflag:s21] =	ssyncset.done $0x0  }
0x24c: {  	[sflag:s21] =	ssyncadd.s32 $0xFFFFE000  }
0x24d: {  	_ =	swait.ge [sflag:s9], $0x2000  }
0x24e: {  	[sflag:s9] =	ssyncset.done $0x0  }
0x24f: {  	[sflag:s9] =	ssyncadd.s32 $0xFFFFE000  }
0x250: {  	[bflag:$0x0] =	sbarrier.arrive $0xFFFF  }
0x251: {  	s3 =	simm.s32 @p0 $0x1FCD;
	s6 =	rddreg [dreg:$0xe]  }
0x252: {  	[hbm:s6], [sflag:s3] =	dma.local @p0 [spmem:s20], $0x2800  }
0x253: {  	s3 =	simm.s32 @p0 $0xD  }
0x254: {  	_ =	swait.ge @p0 [sflag:s3], $0x2800  }
0x255: {  	[sflag:s3] =	ssyncset.done @p0 $0x0  }
0x256: {  	[sflag:s3] =	ssyncadd.s32 @p0 $0xFFFFD800;
	s3 =	rddreg [dreg:$0x11]  }
0x257: {  	s6 =	rddreg [dreg:$0xd];
	s3 =	sor.u32 @!p0 $0x1C0D, s3  }
0x258: {  	[hbm:s6], [sflag:s3] =	dma.local @!p0 [spmem:s22], $0x2700  }
0x259: {  	s3 =	simm.s32 @!p0 $0xD  }
0x25a: {  	_ =	swait.ge @!p0 [sflag:s3], $0x2700  }
0x25b: {  	s11 =	sadd.s32 $0x1, s11;
	s24 =	rddreg [dreg:$0xf]  }
0x25c: {  	p1 =	sne.s32 s11, s24  }
.Ltmp3:
0x25d: {  	_ = 	snop;
	(pc) =	sbr.rel @p1 .LBB2_1-.Ltmp3, $4  }
.Ltmp4:
0x25e: {  	_ = 	snop;
	(pc) =	sbr.rel @!p1 .LBB2_6-.Ltmp4, $4  }
0x25f: {  	_ = 	snop  }
0x260: {  	[sflag:s3] =	ssyncset.done @!p0 $0x0  }
0x261: {  	[sflag:s3] =	ssyncadd.s32 @!p0 $0xFFFFD900  }
0x262: {  	_ = 	snop  }
.LBB2_3:
.Ltmp5:
0x263: {  	(pc) =	sbr.rel .LBB2_5-.Ltmp5, $2  }
0x264: {  	_ =	sdelay $0x2  }
0x265: {  	s14 =	simm.s32 $0x0  }
.LBB2_6:
0x266: {  	_ =	sfence.sel $0x180000  }
0x267: {  	[bflag:$0x0] =	sbarrier.arrive $0xFFFF  }
0x268: {  	_ =	strace $0x90000047  }
0x269: {  	[bflag:$0x2] =	sbarrier.arrive $0xFFFF  }
0x26a: {  	p0 =	sne.s32 s5, $0x0;
	s0 =	rddreg [dreg:$0x5]  }
0x26b: {  	s0 =	sadd.s32 @!p0 $0x100000, s0  }
0x26c: {  	[sflag:s0] =	ssyncadd.tile.s32 @!p0 $0x1;
	_ =	shalt  }
.Lfunc_end2:
_tile_overlayer_lowered:
.L_overlay_start_2:
0x26d: {  	(tag) =	ssettag $0x2  }
0x26e: {  	s0 =	rddreg [dreg:$0x0];
	s2 =	stileid.u32  }
0x26f: {  	s1 =	rddreg [dreg:$0x1];
	p0 =	sne.s32 s2, $0x0  }
0x270: {  	s3 =	rddreg [dreg:$0x2];
	[bflag:$0x3] =	sbarrier.arrive $0xFFFF;
	s2 =	simm.s32 @!p0 $0x1C0D  }
0x271: {  	[timem:s3], [sflag:s2] =	dma.local @!p0 [hbm:s0], s1  }
0x272: {  	s0 =	simm.s32 @!p0 $0xD  }
0x273: {  	_ =	swait.ge @!p0 [sflag:s0], s1  }
0x274: {  	s1 =	ssub.s32 @!p0 $0x0, s1;
	[sflag:s0] =	ssyncset.done @!p0 $0x0  }
0x275: {  	[sflag:s0] =	ssyncadd.s32 @!p0 s1  }
0x276: {  	[bflag:$0x3] =	sbarrier.arrive $0xFFFF  }
0x277: {  	_ =	shalt  }

</sc_bundles>
